<compile_context>
chip_gen: v7x
topology: tpu7x:2x2x1
jax: 0.10.2.dev20260603
libtpu: 0.0.44.dev20260713+nightly
codegen_flags: <defaults>
</compile_context>

<pallas_src>
import functools

import jax
import jax.numpy as jnp
from jax import lax
from jax.experimental import pallas as pl
from jax.experimental.pallas import tpu as pltpu
from jax.experimental.pallas import tpu_sc as plsc

F32 = jnp.float32


def _round_up(v, m):
    return ((v + m - 1) // m) * m



def _sc_hist(NP, EP):
    n_chunks = EP // (32 * 128)
    rows_per_tile = NP // 16
    mesh = plsc.VectorSubcoreMesh(core_axis_name="c", subcore_axis_name="s")

    @functools.partial(
        pl.kernel,
        out_type=jax.ShapeDtypeStruct((2 * NP, 128), F32),
        mesh=mesh,
        scratch_types=[
            pltpu.VMEM((n_chunks, 128), jnp.int32),
            pltpu.VMEM((128, 128), F32),
            pltpu.VMEM_SHARED((NP, 128), F32),
            pltpu.SemaphoreType.DMA,
        ],
    )
    def hist(dst_hbm, ones_hbm, zeros_hbm, deg_out, dst_v, ones_v, deg_sh, sem):
        c = lax.axis_index("c")
        s = lax.axis_index("s")
        wid = c * 16 + s
        pltpu.sync_copy(zeros_hbm, deg_sh.at[pl.ds(s * rows_per_tile, rows_per_tile)])
        pltpu.sync_copy(ones_hbm, ones_v)
        pltpu.sync_copy(dst_hbm.at[pl.ds(wid * n_chunks, n_chunks)], dst_v)
        plsc.subcore_barrier()

        def body(j, carry):
            pltpu.sync_copy(ones_v, deg_sh.at[dst_v.at[j]], add=True)
            return carry

        lax.fori_loop(0, n_chunks, body, 0)
        plsc.subcore_barrier()
        pltpu.sync_copy(
            deg_sh.at[pl.ds(s * rows_per_tile, rows_per_tile)],
            deg_out.at[pl.ds(c * NP + s * rows_per_tile, rows_per_tile)],
        )

    return hist


def _sc_agg(NP, EP):
    n_chunks = EP // (16 * 128)
    rows_per_tile = NP // 16
    mesh = plsc.VectorSubcoreMesh(core_axis_name="c", subcore_axis_name="s")

    @functools.partial(
        pl.kernel,
        out_type=jax.ShapeDtypeStruct((2 * NP, 128), F32),
        mesh=mesh,
        scratch_types=[
            pltpu.VMEM((n_chunks, 128), jnp.int32),
            pltpu.VMEM((n_chunks, 128), jnp.int32),
            pltpu.VMEM((128, 128), F32),
            pltpu.VMEM_SHARED((NP, 128), F32),
            pltpu.SemaphoreType.DMA,
        ],
    )
    def agg(y2_hbm, src2_hbm, dst_hbm, zeros_hbm, agg_out,
            src_v, dst_v, rows_v, agg_sh, sem):
        c = lax.axis_index("c")
        s = lax.axis_index("s")
        pltpu.sync_copy(zeros_hbm, agg_sh.at[pl.ds(s * rows_per_tile, rows_per_tile)])
        pltpu.sync_copy(
            src2_hbm.at[pl.ds((c * 16 + s) * n_chunks, n_chunks)], src_v)
        pltpu.sync_copy(dst_hbm.at[pl.ds(s * n_chunks, n_chunks)], dst_v)
        plsc.subcore_barrier()

        def body(j, carry):
            pltpu.async_copy(y2_hbm.at[src_v.at[j]], rows_v, sem).wait()
            pltpu.sync_copy(rows_v, agg_sh.at[dst_v.at[j]], add=True)
            return carry

        lax.fori_loop(0, n_chunks, body, 0)
        plsc.subcore_barrier()
        pltpu.sync_copy(
            agg_sh.at[pl.ds(s * rows_per_tile, rows_per_tile)],
            agg_out.at[pl.ds(c * NP + s * rows_per_tile, rows_per_tile)],
        )

    return agg



def _tc_a(NP, D, R, interpret=False):
    nr = NP // R

    def body(x_ref, w_ref, degA_ref, degB_ref, y_ref):
        deg = 0.0078125 * jnp.sum(
            degA_ref[...] + degB_ref[...], axis=1, keepdims=True) + 1.0
        dinv = lax.rsqrt(deg)
        xw = jnp.dot(x_ref[...], w_ref[...], preferred_element_type=F32)
        y_ref[...] = xw * dinv

    return pl.pallas_call(
        body,
        grid=(nr, 2),
        in_specs=[
            pl.BlockSpec((R, D), lambda r, c: (r, 0)),
            pl.BlockSpec((D, 128), lambda r, c: (0, c)),
            pl.BlockSpec((R, 128), lambda r, c: (r, 0)),
            pl.BlockSpec((R, 128), lambda r, c: (r + NP // R, 0)),
        ],
        out_specs=pl.BlockSpec((R, 128), lambda r, c: (c * nr + r, 0)),
        out_shape=jax.ShapeDtypeStruct((2 * NP, 128), F32),
        interpret=interpret,
    )


def _tc_b(NP, H, R, interpret=False):
    nr = NP // R

    def body(aggL_ref, aggH_ref, yL_ref, yH_ref, degA_ref, degB_ref,
             bgcn_ref, wih_ref, bih_ref, bhh_ref, gi_ref):
        deg = 0.0078125 * jnp.sum(
            degA_ref[...] + degB_ref[...], axis=1, keepdims=True) + 1.0
        dinv = lax.rsqrt(deg)
        hL = (aggL_ref[...] + yL_ref[...]) * dinv
        hH = (aggH_ref[...] + yH_ref[...]) * dinv
        h = jnp.concatenate([hL, hH], axis=1) + bgcn_ref[...]
        h = jnp.maximum(h, 0.0)
        col = lax.broadcasted_iota(jnp.int32, (1, 3 * H), 1)
        bias = bih_ref[...] + jnp.where(col < 2 * H, bhh_ref[...], 0.0)
        gi_ref[...] = (
            jnp.dot(h, wih_ref[...], preferred_element_type=F32) + bias)

    half = pl.BlockSpec((R, 128), lambda r: (r, 0))
    halfH = pl.BlockSpec((R, 128), lambda r: (r + nr, 0))
    return pl.pallas_call(
        body,
        grid=(nr,),
        in_specs=[
            half, halfH, half, halfH,
            pl.BlockSpec((R, 128), lambda r: (r, 0)),
            pl.BlockSpec((R, 128), lambda r: (r + nr, 0)),
            pl.BlockSpec((1, H), lambda r: (0, 0)),
            pl.BlockSpec((H, 3 * H), lambda r: (0, 0)),
            pl.BlockSpec((1, 3 * H), lambda r: (0, 0)),
            pl.BlockSpec((1, 3 * H), lambda r: (0, 0)),
        ],
        out_specs=pl.BlockSpec((R, 3 * H), lambda r: (r, 0)),
        out_shape=jax.ShapeDtypeStruct((NP, 3 * H), F32),
        interpret=interpret,
    )


def _tc_scan(NP, T, H, CHUNK, interpret=False):
    ng = T // CHUNK

    def body(gi_ref, w1_ref, w2_ref, bhh_ref, wfc_ref, bfc_ref, out_ref,
             h_scr):
        t = pl.program_id(0)

        @pl.when(t == 0)
        def _():
            h_scr[...] = jnp.zeros_like(h_scr)

        bn = bhh_ref[:, 2 * H:]

        hw = 3 * H // 2

        def block(b, h):
            base = pl.multiple_of(b * 8, 8)
            tile = gi_ref[pl.ds(base, 8), :]
            for k in range(8):
                gi = tile[k:k + 1, :]
                hb = h.astype(w1_ref.dtype)
                gh1 = jnp.dot(hb, w1_ref[...], preferred_element_type=F32)
                gh2 = jnp.dot(hb, w2_ref[...], preferred_element_type=F32)
                r = 0.5 + 0.5 * jnp.tanh(0.5 * (gi[:, :H] + gh1[:, :H]))
                z = 0.5 + 0.5 * jnp.tanh(0.5 * (
                    gi[:, H:2 * H]
                    + jnp.concatenate([gh1[:, H:], gh2[:, :2 * H - hw]], 1)))
                n = jnp.tanh(gi[:, 2 * H:] + r * (gh2[:, 2 * H - hw:] + bn))
                h = n + z * (h - n)
            return h

        h = lax.fori_loop(0, CHUNK // 8, block, h_scr[...])
        h_scr[...] = h

        @pl.when(t == ng - 1)
        def _():
            out_ref[...] = (
                jnp.dot(h, wfc_ref[...], preferred_element_type=F32)
                + bfc_ref[...])

    return pl.pallas_call(
        body,
        grid=(ng,),
        in_specs=[
            pl.BlockSpec((CHUNK, 3 * H), lambda t: (t, 0)),
            pl.BlockSpec((H, 3 * H // 2), lambda t: (0, 0)),
            pl.BlockSpec((H, 3 * H // 2), lambda t: (0, 0)),
            pl.BlockSpec((1, 3 * H), lambda t: (0, 0)),
            pl.BlockSpec((H, 128), lambda t: (0, 0)),
            pl.BlockSpec((1, 128), lambda t: (0, 0)),
        ],
        out_specs=pl.BlockSpec((1, 128), lambda t: (0, 0)),
        out_shape=jax.ShapeDtypeStruct((1, 128), F32),
        scratch_shapes=[pltpu.VMEM((1, H), F32)],
        interpret=interpret,
    )



def kernel(x, edge_index, W_gcn, b_gcn, W_ih, W_hh, b_ih, b_hh, W_fc, b_fc):
    N, D = x.shape
    H = W_hh.shape[0]
    E = edge_index.shape[1]
    NP = _round_up(N, 2048)
    EP = _round_up(E, 32 * 128)
    R = 512

    x_pad = jnp.pad(x, ((0, NP - N), (0, 0)))
    src = edge_index[0]
    dst = edge_index[1]
    pad_e = EP - E
    pad_idx = jnp.full((pad_e,), N, jnp.int32)
    src_p = jnp.concatenate([src, pad_idx])
    dst_p = jnp.concatenate([dst, pad_idx])
    src2 = jnp.concatenate([src_p, src_p + NP]).reshape(2 * EP // 128, 128)
    dst2d = dst_p.reshape(EP // 128, 128)

    rows_per_tile = NP // 16
    ones_tile = jnp.ones((128, 128), F32)
    zeros128 = jnp.zeros((rows_per_tile, 128), F32)

    deg2 = _sc_hist(NP, EP)(dst2d, ones_tile, zeros128)
    y2 = _tc_a(NP, D, R)(x_pad, W_gcn, deg2, deg2)
    agg2 = _sc_agg(NP, EP)(y2, src2, dst2d, zeros128)
    gi = _tc_b(NP, H, R)(
        agg2, agg2, y2, y2, deg2, deg2,
        b_gcn.reshape(1, H), W_ih,
        b_ih.reshape(1, 3 * H), b_hh.reshape(1, 3 * H))

    wfc_pad = jnp.pad(W_fc, ((0, 0), (0, 128 - W_fc.shape[1])))
    bfc_pad = jnp.pad(b_fc, (0, 128 - b_fc.shape[0])).reshape(1, 128)
    whh_bf = W_hh.astype(jnp.bfloat16)
    hw = 3 * H // 2
    out = _tc_scan(NP, N, H, 1000)(
        gi, whh_bf[:, :hw], whh_bf[:, hw:], b_hh.reshape(1, 3 * H),
        wfc_pad, bfc_pad)
    return out[:, :1]

# --- scband reference (transcript-rebuilt; emitter-appended) ---
"""Pipeline reference for scband-gcn-gru-67577015435880 (READ-ONLY COPY).

The authoritative reference and input builder live on the scoring server;
editing this copy changes nothing except your own understanding.
"""

import jax, jax.numpy as jnp
import numpy as np

N = 10000
E = 160000
D = 256
H = 256


def setup_inputs(seed: int = 0) -> dict:
    key = jax.random.key(seed)
    ks = jax.random.split(key, 12)
    x = jax.random.normal(ks[0], (N, D), dtype=jnp.float32)
    edge_index = jax.random.randint(ks[1], (2, E), 0, N, dtype=jnp.int32)
    W_gcn = jax.random.normal(ks[2], (D, H), dtype=jnp.float32) * (1.0 / np.sqrt(D))
    b_gcn = jnp.zeros((H,), dtype=jnp.float32)
    W_ih = jax.random.normal(ks[3], (H, 3 * H), dtype=jnp.float32) * (1.0 / np.sqrt(H))
    W_hh = jax.random.normal(ks[4], (H, 3 * H), dtype=jnp.float32) * (1.0 / np.sqrt(H))
    b_ih = jnp.zeros((3 * H,), dtype=jnp.float32)
    b_hh = jnp.zeros((3 * H,), dtype=jnp.float32)
    W_fc = jax.random.normal(ks[5], (H, 1), dtype=jnp.float32) * (1.0 / np.sqrt(H))
    b_fc = jnp.zeros((1,), dtype=jnp.float32)
    return {"x": x, "edge_index": edge_index, "W_gcn": W_gcn, "b_gcn": b_gcn,
            "W_ih": W_ih, "W_hh": W_hh, "b_ih": b_ih, "b_hh": b_hh,
            "W_fc": W_fc, "b_fc": b_fc}


def _gcn_layer(x, edge_index, W, b):
    # GCN (Kipf) with symmetric normalization and self-loops: relu(D^-1/2 (A+I) D^-1/2 X W + b)
    loops = jnp.arange(N, dtype=edge_index.dtype)
    src = jnp.concatenate([edge_index[0], loops])
    dst = jnp.concatenate([edge_index[1], loops])
    deg = jax.ops.segment_sum(jnp.ones_like(dst, dtype=jnp.float32), dst, num_segments=N)
    dinv = 1.0 / jnp.sqrt(jnp.maximum(deg, 1.0))
    coeff = dinv[src] * dinv[dst]
    xw = x @ W  # transform first (equivalent, cheaper)
    msg = xw[src] * coeff[:, None]
    agg = jax.ops.segment_sum(msg, dst, num_segments=N)
    return jax.nn.relu(agg + b)


def _gru_last_hidden(seq, W_ih, W_hh, b_ih, b_hh):
    # seq: [T, H_in]; single-layer GRU (PyTorch gate math), returns final hidden state [H]
    def step(h, x_t):
        gi = x_t @ W_ih + b_ih
        gh = h @ W_hh + b_hh
        i_r, i_z, i_n = jnp.split(gi, 3)
        h_r, h_z, h_n = jnp.split(gh, 3)
        r = jax.nn.sigmoid(i_r + h_r)
        z = jax.nn.sigmoid(i_z + h_z)
        n = jnp.tanh(i_n + r * h_n)
        h_new = (1.0 - z) * n + z * h
        return h_new, None
    h0 = jnp.zeros((H,), dtype=seq.dtype)
    h_final, _ = jax.lax.scan(step, h0, seq)
    return h_final


def reference(x, edge_index, W_gcn, b_gcn, W_ih, W_hh, b_ih, b_hh, W_fc, b_fc):
    h = _gcn_layer(x, edge_index, W_gcn, b_gcn)          # [N, H]
    h_n = _gru_last_hidden(h, W_ih, W_hh, b_ih, b_hh)    # [H]  (gru(x)[1][0] with batch=1)
    out = h_n @ W_fc + b_fc                              # [1]
    return out.reshape(1, 1)

if __name__ == "__main__":
    import jax
    _d = setup_inputs()
    print(jax.jit(kernel)(*tuple(_d.values())))

</pallas_src>

<mosaic_0001>
#map = affine_map<(d0, d1) -> (0, 0)>
module attributes {stable_mosaic.version = 14 : i64} {
  func.func @agg(%arg0: i32, %arg1: i32, %arg2: memref<20480x128xf32, #tpu.memory_space<hbm>>, %arg3: memref<2560x128xi32, #tpu.memory_space<hbm>>, %arg4: memref<1280x128xi32, #tpu.memory_space<hbm>>, %arg5: memref<640x128xf32, #tpu.memory_space<hbm>>, %arg6: memref<20480x128xf32, #tpu.memory_space<hbm>>, %arg7: memref<80x128xi32, #tpu.memory_space<vmem>>, %arg8: memref<80x128xi32, #tpu.memory_space<vmem>>, %arg9: memref<128x128xf32, #tpu.memory_space<vmem>>, %arg10: memref<10240x128xf32, #tpu.memory_space<vmem_shared>>, %arg11: memref<!tpu.dma_semaphore, #tpu.memory_space<semaphore_mem>>) attributes {dimension_semantics = [#tpu.dimension_semantics<core_parallel>, #tpu.dimension_semantics<subcore_parallel>], iteration_bounds = array<i64: 2, 16>, scalar_prefetch = 0 : i64, scratch_operands = 5 : i64, tpu.core_type = #tpu.core_type<sc_vector_subcore>, window_params = [{transform_indices = #map}, {transform_indices = #map}, {transform_indices = #map}, {transform_indices = #map}, {transform_indices = #map}]} {
    %mul3A = arith.constant 640 : i32
    %mul3A_0 = arith.muli %arg1, %mul3A : i32
    "tpu.region"() ({
      %run_scoped3A = tpu.sem_alloc : memref<!tpu.dma_semaphore, #tpu.memory_space<semaphore_mem>>
      %dma_start3A = arith.constant 0 : i32
      %dma_start3A_20 = tpu.memref_slice %arg10[%mul3A_0, %dma_start3A] : memref<10240x128xf32, #tpu.memory_space<vmem_shared>> -> memref<640x128xf32, #tpu.memory_space<vmem_shared>>
      tpu.enqueue_dma source(%arg5 : memref<640x128xf32, #tpu.memory_space<hbm>>) target(%dma_start3A_20 : memref<640x128xf32, #tpu.memory_space<vmem_shared>>) target_semaphore(%run_scoped3A : memref<!tpu.dma_semaphore, #tpu.memory_space<semaphore_mem>>)
      %dma_wait3A = arith.constant 0 : i32
      %dma_wait3A_21 = tpu.memref_slice %arg10[%mul3A_0, %dma_wait3A] : memref<10240x128xf32, #tpu.memory_space<vmem_shared>> -> memref<640x128xf32, #tpu.memory_space<vmem_shared>>
      tpu.wait_dma2 semaphore(%run_scoped3A : memref<!tpu.dma_semaphore, #tpu.memory_space<semaphore_mem>>) src(%arg5 : memref<640x128xf32, #tpu.memory_space<hbm>>) dst(%dma_wait3A_21 : memref<640x128xf32, #tpu.memory_space<vmem_shared>>)
      tpu.yield
    }) : () -> ()
    %mul3A_1 = arith.constant 16 : i32
    %mul3A_2 = arith.muli %arg0, %mul3A_1 : i32
    %add3A = arith.addi %mul3A_2, %arg1 : i32
    %mul3A_3 = arith.constant 80 : i32
    %mul3A_4 = arith.muli %add3A, %mul3A_3 : i32
    "tpu.region"() ({
      %run_scoped3A = tpu.sem_alloc : memref<!tpu.dma_semaphore, #tpu.memory_space<semaphore_mem>>
      %dma_start3A = arith.constant 0 : i32
      %dma_start3A_20 = tpu.memref_slice %arg3[%mul3A_4, %dma_start3A] : memref<2560x128xi32, #tpu.memory_space<hbm>> -> memref<80x128xi32, #tpu.memory_space<hbm>>
      %dma_start3A_21 = arith.constant 0 : i32
      %dma_start3A_22 = tpu.memref_slice %arg3[%mul3A_4, %dma_start3A_21] : memref<2560x128xi32, #tpu.memory_space<hbm>> -> memref<80x128xi32, #tpu.memory_space<hbm>>
      tpu.enqueue_dma source(%dma_start3A_22 : memref<80x128xi32, #tpu.memory_space<hbm>>) target(%arg7 : memref<80x128xi32, #tpu.memory_space<vmem>>) target_semaphore(%run_scoped3A : memref<!tpu.dma_semaphore, #tpu.memory_space<semaphore_mem>>)
      %dma_wait3A = arith.constant 0 : i32
      %dma_wait3A_23 = tpu.memref_slice %arg3[%mul3A_4, %dma_wait3A] : memref<2560x128xi32, #tpu.memory_space<hbm>> -> memref<80x128xi32, #tpu.memory_space<hbm>>
      %dma_wait3A_24 = arith.constant 0 : i32
      %dma_wait3A_25 = tpu.memref_slice %arg3[%mul3A_4, %dma_wait3A_24] : memref<2560x128xi32, #tpu.memory_space<hbm>> -> memref<80x128xi32, #tpu.memory_space<hbm>>
      tpu.wait_dma2 semaphore(%run_scoped3A : memref<!tpu.dma_semaphore, #tpu.memory_space<semaphore_mem>>) src(%dma_wait3A_25 : memref<80x128xi32, #tpu.memory_space<hbm>>) dst(%arg7 : memref<80x128xi32, #tpu.memory_space<vmem>>)
      tpu.yield
    }) : () -> ()
    %mul3A_5 = arith.constant 80 : i32
    %mul3A_6 = arith.muli %arg1, %mul3A_5 : i32
    "tpu.region"() ({
      %run_scoped3A = tpu.sem_alloc : memref<!tpu.dma_semaphore, #tpu.memory_space<semaphore_mem>>
      %dma_start3A = arith.constant 0 : i32
      %dma_start3A_20 = tpu.memref_slice %arg4[%mul3A_6, %dma_start3A] : memref<1280x128xi32, #tpu.memory_space<hbm>> -> memref<80x128xi32, #tpu.memory_space<hbm>>
      %dma_start3A_21 = arith.constant 0 : i32
      %dma_start3A_22 = tpu.memref_slice %arg4[%mul3A_6, %dma_start3A_21] : memref<1280x128xi32, #tpu.memory_space<hbm>> -> memref<80x128xi32, #tpu.memory_space<hbm>>
      tpu.enqueue_dma source(%dma_start3A_22 : memref<80x128xi32, #tpu.memory_space<hbm>>) target(%arg8 : memref<80x128xi32, #tpu.memory_space<vmem>>) target_semaphore(%run_scoped3A : memref<!tpu.dma_semaphore, #tpu.memory_space<semaphore_mem>>)
      %dma_wait3A = arith.constant 0 : i32
      %dma_wait3A_23 = tpu.memref_slice %arg4[%mul3A_6, %dma_wait3A] : memref<1280x128xi32, #tpu.memory_space<hbm>> -> memref<80x128xi32, #tpu.memory_space<hbm>>
      %dma_wait3A_24 = arith.constant 0 : i32
      %dma_wait3A_25 = tpu.memref_slice %arg4[%mul3A_6, %dma_wait3A_24] : memref<1280x128xi32, #tpu.memory_space<hbm>> -> memref<80x128xi32, #tpu.memory_space<hbm>>
      tpu.wait_dma2 semaphore(%run_scoped3A : memref<!tpu.dma_semaphore, #tpu.memory_space<semaphore_mem>>) src(%dma_wait3A_25 : memref<80x128xi32, #tpu.memory_space<hbm>>) dst(%arg8 : memref<80x128xi32, #tpu.memory_space<vmem>>)
      tpu.yield
    }) : () -> ()
    %barrier3A = arith.constant 0 : index
    tpu.barrier barrier_id(%barrier3A)
    %scan3A = arith.constant 0 : i32
    %scan3A_7 = arith.constant 0 : i32
    %scan3A_8 = arith.constant 80 : i32
    %scan3A_9 = arith.addi %scan3A_7, %scan3A_8 : i32
    %scan3A_10 = arith.constant 1 : i32
    scf.for %scan3A_20 = %scan3A_7 to %scan3A_9 step %scan3A_10  : i32 {
      %dma_start3A = arith.constant 0 : i32
      %dma_start3A_21 = tpu.memref_slice %arg7[%scan3A_20, %dma_start3A] : memref<80x128xi32, #tpu.memory_space<vmem>> -> memref<1x128xi32, #tpu.memory_space<vmem>>
      %dma_start3A_22 = tpu.memref_squeeze %dma_start3A_21 : memref<1x128xi32, #tpu.memory_space<vmem>> -> memref<128xi32, #tpu.memory_space<vmem>>
      %dma_start3A_23 = arith.constant 0 : i32
      %dma_start3A_24 = arith.constant 0 : i32
      %dma_start3A_25 = tpu.memref_slice %arg2[%dma_start3A_23, %dma_start3A_24] : memref<20480x128xf32, #tpu.memory_space<hbm>> -> memref<20480x128xf32, #tpu.memory_space<hbm>>
      tpu.enqueue_indirect_dma source(%dma_start3A_25 : memref<20480x128xf32, #tpu.memory_space<hbm>>) target(%arg9 : memref<128x128xf32, #tpu.memory_space<vmem>>) offsets(%dma_start3A_22 : memref<128xi32, #tpu.memory_space<vmem>>) semaphore(%arg11 : memref<!tpu.dma_semaphore, #tpu.memory_space<semaphore_mem>>)
      %dma_wait3A = arith.constant 0 : i32
      %dma_wait3A_26 = tpu.memref_slice %arg7[%scan3A_20, %dma_wait3A] : memref<80x128xi32, #tpu.memory_space<vmem>> -> memref<1x128xi32, #tpu.memory_space<vmem>>
      %dma_wait3A_27 = tpu.memref_squeeze %dma_wait3A_26 : memref<1x128xi32, #tpu.memory_space<vmem>> -> memref<128xi32, #tpu.memory_space<vmem>>
      %dma_wait3A_28 = arith.constant 0 : i32
      %dma_wait3A_29 = arith.constant 0 : i32
      %dma_wait3A_30 = tpu.memref_slice %arg2[%dma_wait3A_28, %dma_wait3A_29] : memref<20480x128xf32, #tpu.memory_space<hbm>> -> memref<20480x128xf32, #tpu.memory_space<hbm>>
      tpu.wait_indirect_dma semaphore(%arg11 : memref<!tpu.dma_semaphore, #tpu.memory_space<semaphore_mem>>) src(%dma_wait3A_30 : memref<20480x128xf32, #tpu.memory_space<hbm>>) dst(%arg9 : memref<128x128xf32, #tpu.memory_space<vmem>>)
      "tpu.region"() ({
        %run_scoped3A = tpu.sem_alloc : memref<!tpu.dma_semaphore, #tpu.memory_space<semaphore_mem>>
        %dma_start3A_31 = arith.constant 0 : i32
        %dma_start3A_32 = tpu.memref_slice %arg8[%scan3A_20, %dma_start3A_31] : memref<80x128xi32, #tpu.memory_space<vmem>> -> memref<1x128xi32, #tpu.memory_space<vmem>>
        %dma_start3A_33 = tpu.memref_squeeze %dma_start3A_32 : memref<1x128xi32, #tpu.memory_space<vmem>> -> memref<128xi32, #tpu.memory_space<vmem>>
        %dma_start3A_34 = arith.constant 0 : i32
        %dma_start3A_35 = arith.constant 0 : i32
        %dma_start3A_36 = tpu.memref_slice %arg10[%dma_start3A_34, %dma_start3A_35] : memref<10240x128xf32, #tpu.memory_space<vmem_shared>> -> memref<10240x128xf32, #tpu.memory_space<vmem_shared>>
        tpu.enqueue_indirect_dma source(%arg9 : memref<128x128xf32, #tpu.memory_space<vmem>>) target(%dma_start3A_36 : memref<10240x128xf32, #tpu.memory_space<vmem_shared>>) offsets(%dma_start3A_33 : memref<128xi32, #tpu.memory_space<vmem>>) semaphore(%run_scoped3A : memref<!tpu.dma_semaphore, #tpu.memory_space<semaphore_mem>>) {add = true}
        %dma_wait3A_37 = arith.constant 0 : i32
        %dma_wait3A_38 = tpu.memref_slice %arg8[%scan3A_20, %dma_wait3A_37] : memref<80x128xi32, #tpu.memory_space<vmem>> -> memref<1x128xi32, #tpu.memory_space<vmem>>
        %dma_wait3A_39 = tpu.memref_squeeze %dma_wait3A_38 : memref<1x128xi32, #tpu.memory_space<vmem>> -> memref<128xi32, #tpu.memory_space<vmem>>
        %dma_wait3A_40 = arith.constant 0 : i32
        %dma_wait3A_41 = arith.constant 0 : i32
        %dma_wait3A_42 = tpu.memref_slice %arg10[%dma_wait3A_40, %dma_wait3A_41] : memref<10240x128xf32, #tpu.memory_space<vmem_shared>> -> memref<10240x128xf32, #tpu.memory_space<vmem_shared>>
        tpu.wait_indirect_dma semaphore(%run_scoped3A : memref<!tpu.dma_semaphore, #tpu.memory_space<semaphore_mem>>) src(%arg9 : memref<128x128xf32, #tpu.memory_space<vmem>>) dst(%dma_wait3A_42 : memref<10240x128xf32, #tpu.memory_space<vmem_shared>>)
        tpu.yield
      }) : () -> ()
    }
    %scan3A_11 = arith.constant 80 : i32
    %barrier3A_12 = arith.constant 0 : index
    tpu.barrier barrier_id(%barrier3A_12)
    %mul3A_13 = arith.constant 640 : i32
    %mul3A_14 = arith.muli %arg1, %mul3A_13 : i32
    %mul3A_15 = arith.constant 10240 : i32
    %mul3A_16 = arith.muli %arg0, %mul3A_15 : i32
    %mul3A_17 = arith.constant 640 : i32
    %mul3A_18 = arith.muli %arg1, %mul3A_17 : i32
    %add3A_19 = arith.addi %mul3A_16, %mul3A_18 : i32
    "tpu.region"() ({
      %run_scoped3A = tpu.sem_alloc : memref<!tpu.dma_semaphore, #tpu.memory_space<semaphore_mem>>
      %dma_start3A = arith.constant 0 : i32
      %dma_start3A_20 = tpu.memref_slice %arg6[%add3A_19, %dma_start3A] : memref<20480x128xf32, #tpu.memory_space<hbm>> -> memref<640x128xf32, #tpu.memory_space<hbm>>
      %dma_start3A_21 = arith.constant 0 : i32
      %dma_start3A_22 = tpu.memref_slice %arg10[%mul3A_14, %dma_start3A_21] : memref<10240x128xf32, #tpu.memory_space<vmem_shared>> -> memref<640x128xf32, #tpu.memory_space<vmem_shared>>
      tpu.enqueue_dma source(%dma_start3A_22 : memref<640x128xf32, #tpu.memory_space<vmem_shared>>) target(%dma_start3A_20 : memref<640x128xf32, #tpu.memory_space<hbm>>) target_semaphore(%run_scoped3A : memref<!tpu.dma_semaphore, #tpu.memory_space<semaphore_mem>>)
      %dma_wait3A = arith.constant 0 : i32
      %dma_wait3A_23 = tpu.memref_slice %arg6[%add3A_19, %dma_wait3A] : memref<20480x128xf32, #tpu.memory_space<hbm>> -> memref<640x128xf32, #tpu.memory_space<hbm>>
      %dma_wait3A_24 = arith.constant 0 : i32
      %dma_wait3A_25 = tpu.memref_slice %arg10[%mul3A_14, %dma_wait3A_24] : memref<10240x128xf32, #tpu.memory_space<vmem_shared>> -> memref<640x128xf32, #tpu.memory_space<vmem_shared>>
      tpu.wait_dma2 semaphore(%run_scoped3A : memref<!tpu.dma_semaphore, #tpu.memory_space<semaphore_mem>>) src(%dma_wait3A_25 : memref<640x128xf32, #tpu.memory_space<vmem_shared>>) dst(%dma_wait3A_23 : memref<640x128xf32, #tpu.memory_space<hbm>>)
      tpu.yield
    }) : () -> ()
    return
  }
}

#map = affine_map<(d0, d1) -> (0, 0)>
module attributes {stable_mosaic.version = 14 : i64} {
  func.func @hist(%arg0: i32, %arg1: i32, %arg2: memref<1280x128xi32, #tpu.memory_space<hbm>>, %arg3: memref<128x128xf32, #tpu.memory_space<hbm>>, %arg4: memref<640x128xf32, #tpu.memory_space<hbm>>, %arg5: memref<20480x128xf32, #tpu.memory_space<hbm>>, %arg6: memref<40x128xi32, #tpu.memory_space<vmem>>, %arg7: memref<128x128xf32, #tpu.memory_space<vmem>>, %arg8: memref<10240x128xf32, #tpu.memory_space<vmem_shared>>, %arg9: memref<!tpu.dma_semaphore, #tpu.memory_space<semaphore_mem>>) attributes {dimension_semantics = [#tpu.dimension_semantics<core_parallel>, #tpu.dimension_semantics<subcore_parallel>], iteration_bounds = array<i64: 2, 16>, scalar_prefetch = 0 : i64, scratch_operands = 4 : i64, tpu.core_type = #tpu.core_type<sc_vector_subcore>, window_params = [{transform_indices = #map}, {transform_indices = #map}, {transform_indices = #map}, {transform_indices = #map}]} {
    %mul3A = arith.constant 16 : i32
    %mul3A_0 = arith.muli %arg0, %mul3A : i32
    %add3A = arith.addi %mul3A_0, %arg1 : i32
    %mul3A_1 = arith.constant 640 : i32
    %mul3A_2 = arith.muli %arg1, %mul3A_1 : i32
    "tpu.region"() ({
      %run_scoped3A = tpu.sem_alloc : memref<!tpu.dma_semaphore, #tpu.memory_space<semaphore_mem>>
      %dma_start3A = arith.constant 0 : i32
      %dma_start3A_18 = tpu.memref_slice %arg8[%mul3A_2, %dma_start3A] : memref<10240x128xf32, #tpu.memory_space<vmem_shared>> -> memref<640x128xf32, #tpu.memory_space<vmem_shared>>
      tpu.enqueue_dma source(%arg4 : memref<640x128xf32, #tpu.memory_space<hbm>>) target(%dma_start3A_18 : memref<640x128xf32, #tpu.memory_space<vmem_shared>>) target_semaphore(%run_scoped3A : memref<!tpu.dma_semaphore, #tpu.memory_space<semaphore_mem>>)
      %dma_wait3A = arith.constant 0 : i32
      %dma_wait3A_19 = tpu.memref_slice %arg8[%mul3A_2, %dma_wait3A] : memref<10240x128xf32, #tpu.memory_space<vmem_shared>> -> memref<640x128xf32, #tpu.memory_space<vmem_shared>>
      tpu.wait_dma2 semaphore(%run_scoped3A : memref<!tpu.dma_semaphore, #tpu.memory_space<semaphore_mem>>) src(%arg4 : memref<640x128xf32, #tpu.memory_space<hbm>>) dst(%dma_wait3A_19 : memref<640x128xf32, #tpu.memory_space<vmem_shared>>)
      tpu.yield
    }) : () -> ()
    "tpu.region"() ({
      %run_scoped3A = tpu.sem_alloc : memref<!tpu.dma_semaphore, #tpu.memory_space<semaphore_mem>>
      tpu.enqueue_dma source(%arg3 : memref<128x128xf32, #tpu.memory_space<hbm>>) target(%arg7 : memref<128x128xf32, #tpu.memory_space<vmem>>) target_semaphore(%run_scoped3A : memref<!tpu.dma_semaphore, #tpu.memory_space<semaphore_mem>>)
      tpu.wait_dma2 semaphore(%run_scoped3A : memref<!tpu.dma_semaphore, #tpu.memory_space<semaphore_mem>>) src(%arg3 : memref<128x128xf32, #tpu.memory_space<hbm>>) dst(%arg7 : memref<128x128xf32, #tpu.memory_space<vmem>>)
      tpu.yield
    }) : () -> ()
    %mul3A_3 = arith.constant 40 : i32
    %mul3A_4 = arith.muli %add3A, %mul3A_3 : i32
    "tpu.region"() ({
      %run_scoped3A = tpu.sem_alloc : memref<!tpu.dma_semaphore, #tpu.memory_space<semaphore_mem>>
      %dma_start3A = arith.constant 0 : i32
      %dma_start3A_18 = tpu.memref_slice %arg2[%mul3A_4, %dma_start3A] : memref<1280x128xi32, #tpu.memory_space<hbm>> -> memref<40x128xi32, #tpu.memory_space<hbm>>
      %dma_start3A_19 = arith.constant 0 : i32
      %dma_start3A_20 = tpu.memref_slice %arg2[%mul3A_4, %dma_start3A_19] : memref<1280x128xi32, #tpu.memory_space<hbm>> -> memref<40x128xi32, #tpu.memory_space<hbm>>
      tpu.enqueue_dma source(%dma_start3A_20 : memref<40x128xi32, #tpu.memory_space<hbm>>) target(%arg6 : memref<40x128xi32, #tpu.memory_space<vmem>>) target_semaphore(%run_scoped3A : memref<!tpu.dma_semaphore, #tpu.memory_space<semaphore_mem>>)
      %dma_wait3A = arith.constant 0 : i32
      %dma_wait3A_21 = tpu.memref_slice %arg2[%mul3A_4, %dma_wait3A] : memref<1280x128xi32, #tpu.memory_space<hbm>> -> memref<40x128xi32, #tpu.memory_space<hbm>>
      %dma_wait3A_22 = arith.constant 0 : i32
      %dma_wait3A_23 = tpu.memref_slice %arg2[%mul3A_4, %dma_wait3A_22] : memref<1280x128xi32, #tpu.memory_space<hbm>> -> memref<40x128xi32, #tpu.memory_space<hbm>>
      tpu.wait_dma2 semaphore(%run_scoped3A : memref<!tpu.dma_semaphore, #tpu.memory_space<semaphore_mem>>) src(%dma_wait3A_23 : memref<40x128xi32, #tpu.memory_space<hbm>>) dst(%arg6 : memref<40x128xi32, #tpu.memory_space<vmem>>)
      tpu.yield
    }) : () -> ()
    %barrier3A = arith.constant 0 : index
    tpu.barrier barrier_id(%barrier3A)
    %scan3A = arith.constant 0 : i32
    %scan3A_5 = arith.constant 0 : i32
    %scan3A_6 = arith.constant 40 : i32
    %scan3A_7 = arith.addi %scan3A_5, %scan3A_6 : i32
    %scan3A_8 = arith.constant 1 : i32
    scf.for %scan3A_18 = %scan3A_5 to %scan3A_7 step %scan3A_8  : i32 {
      "tpu.region"() ({
        %run_scoped3A = tpu.sem_alloc : memref<!tpu.dma_semaphore, #tpu.memory_space<semaphore_mem>>
        %dma_start3A = arith.constant 0 : i32
        %dma_start3A_19 = tpu.memref_slice %arg6[%scan3A_18, %dma_start3A] : memref<40x128xi32, #tpu.memory_space<vmem>> -> memref<1x128xi32, #tpu.memory_space<vmem>>
        %dma_start3A_20 = tpu.memref_squeeze %dma_start3A_19 : memref<1x128xi32, #tpu.memory_space<vmem>> -> memref<128xi32, #tpu.memory_space<vmem>>
        %dma_start3A_21 = arith.constant 0 : i32
        %dma_start3A_22 = arith.constant 0 : i32
        %dma_start3A_23 = tpu.memref_slice %arg8[%dma_start3A_21, %dma_start3A_22] : memref<10240x128xf32, #tpu.memory_space<vmem_shared>> -> memref<10240x128xf32, #tpu.memory_space<vmem_shared>>
        tpu.enqueue_indirect_dma source(%arg7 : memref<128x128xf32, #tpu.memory_space<vmem>>) target(%dma_start3A_23 : memref<10240x128xf32, #tpu.memory_space<vmem_shared>>) offsets(%dma_start3A_20 : memref<128xi32, #tpu.memory_space<vmem>>) semaphore(%run_scoped3A : memref<!tpu.dma_semaphore, #tpu.memory_space<semaphore_mem>>) {add = true}
        %dma_wait3A = arith.constant 0 : i32
        %dma_wait3A_24 = tpu.memref_slice %arg6[%scan3A_18, %dma_wait3A] : memref<40x128xi32, #tpu.memory_space<vmem>> -> memref<1x128xi32, #tpu.memory_space<vmem>>
        %dma_wait3A_25 = tpu.memref_squeeze %dma_wait3A_24 : memref<1x128xi32, #tpu.memory_space<vmem>> -> memref<128xi32, #tpu.memory_space<vmem>>
        %dma_wait3A_26 = arith.constant 0 : i32
        %dma_wait3A_27 = arith.constant 0 : i32
        %dma_wait3A_28 = tpu.memref_slice %arg8[%dma_wait3A_26, %dma_wait3A_27] : memref<10240x128xf32, #tpu.memory_space<vmem_shared>> -> memref<10240x128xf32, #tpu.memory_space<vmem_shared>>
        tpu.wait_indirect_dma semaphore(%run_scoped3A : memref<!tpu.dma_semaphore, #tpu.memory_space<semaphore_mem>>) src(%arg7 : memref<128x128xf32, #tpu.memory_space<vmem>>) dst(%dma_wait3A_28 : memref<10240x128xf32, #tpu.memory_space<vmem_shared>>)
        tpu.yield
      }) : () -> ()
    }
    %scan3A_9 = arith.constant 40 : i32
    %barrier3A_10 = arith.constant 0 : index
    tpu.barrier barrier_id(%barrier3A_10)
    %mul3A_11 = arith.constant 640 : i32
    %mul3A_12 = arith.muli %arg1, %mul3A_11 : i32
    %mul3A_13 = arith.constant 10240 : i32
    %mul3A_14 = arith.muli %arg0, %mul3A_13 : i32
    %mul3A_15 = arith.constant 640 : i32
    %mul3A_16 = arith.muli %arg1, %mul3A_15 : i32
    %add3A_17 = arith.addi %mul3A_14, %mul3A_16 : i32
    "tpu.region"() ({
      %run_scoped3A = tpu.sem_alloc : memref<!tpu.dma_semaphore, #tpu.memory_space<semaphore_mem>>
      %dma_start3A = arith.constant 0 : i32
      %dma_start3A_18 = tpu.memref_slice %arg5[%add3A_17, %dma_start3A] : memref<20480x128xf32, #tpu.memory_space<hbm>> -> memref<640x128xf32, #tpu.memory_space<hbm>>
      %dma_start3A_19 = arith.constant 0 : i32
      %dma_start3A_20 = tpu.memref_slice %arg8[%mul3A_12, %dma_start3A_19] : memref<10240x128xf32, #tpu.memory_space<vmem_shared>> -> memref<640x128xf32, #tpu.memory_space<vmem_shared>>
      tpu.enqueue_dma source(%dma_start3A_20 : memref<640x128xf32, #tpu.memory_space<vmem_shared>>) target(%dma_start3A_18 : memref<640x128xf32, #tpu.memory_space<hbm>>) target_semaphore(%run_scoped3A : memref<!tpu.dma_semaphore, #tpu.memory_space<semaphore_mem>>)
      %dma_wait3A = arith.constant 0 : i32
      %dma_wait3A_21 = tpu.memref_slice %arg5[%add3A_17, %dma_wait3A] : memref<20480x128xf32, #tpu.memory_space<hbm>> -> memref<640x128xf32, #tpu.memory_space<hbm>>
      %dma_wait3A_22 = arith.constant 0 : i32
      %dma_wait3A_23 = tpu.memref_slice %arg8[%mul3A_12, %dma_wait3A_22] : memref<10240x128xf32, #tpu.memory_space<vmem_shared>> -> memref<640x128xf32, #tpu.memory_space<vmem_shared>>
      tpu.wait_dma2 semaphore(%run_scoped3A : memref<!tpu.dma_semaphore, #tpu.memory_space<semaphore_mem>>) src(%dma_wait3A_23 : memref<640x128xf32, #tpu.memory_space<vmem_shared>>) dst(%dma_wait3A_21 : memref<640x128xf32, #tpu.memory_space<hbm>>)
      tpu.yield
    }) : () -> ()
    return
  }
}

module attributes {stable_mosaic.version = 14 : i64} {
  func.func @body(%arg0: i32, %arg1: memref<512x128xf32, #tpu.memory_space<vmem>>, %arg2: memref<512x128xf32, #tpu.memory_space<vmem>>, %arg3: memref<512x128xf32, #tpu.memory_space<vmem>>, %arg4: memref<512x128xf32, #tpu.memory_space<vmem>>, %arg5: memref<512x128xf32, #tpu.memory_space<vmem>>, %arg6: memref<512x128xf32, #tpu.memory_space<vmem>>, %arg7: memref<1x256xf32, #tpu.memory_space<vmem>>, %arg8: memref<256x768xf32, #tpu.memory_space<vmem>>, %arg9: memref<1x768xf32, #tpu.memory_space<vmem>>, %arg10: memref<1x768xf32, #tpu.memory_space<vmem>>, %arg11: memref<512x768xf32, #tpu.memory_space<vmem>>) attributes {dimension_semantics = [#tpu.dimension_semantics<arbitrary>], iteration_bounds = array<i64: 20>, scalar_prefetch = 0 : i64, scratch_operands = 0 : i64, tpu.core_type = #tpu.core_type<tc>, window_params = [{transform_indices = @transform_0, window_bounds = array<i64: 512, 128>}, {transform_indices = @transform_1, window_bounds = array<i64: 512, 128>}, {transform_indices = @transform_2, window_bounds = array<i64: 512, 128>}, {transform_indices = @transform_3, window_bounds = array<i64: 512, 128>}, {transform_indices = @transform_4, window_bounds = array<i64: 512, 128>}, {transform_indices = @transform_5, window_bounds = array<i64: 512, 128>}, {pipeline_mode = #tpu.pipeline_mode<synchronous>, transform_indices = @transform_6, window_bounds = array<i64: 1, 256>}, {pipeline_mode = #tpu.pipeline_mode<synchronous>, transform_indices = @transform_7, window_bounds = array<i64: 256, 768>}, {pipeline_mode = #tpu.pipeline_mode<synchronous>, transform_indices = @transform_8, window_bounds = array<i64: 1, 768>}, {pipeline_mode = #tpu.pipeline_mode<synchronous>, transform_indices = @transform_9, window_bounds = array<i64: 1, 768>}, {transform_indices = @transform_10, window_bounds = array<i64: 512, 768>}]} {
    %get3A = arith.constant 0 : index
    %get3A_0 = arith.constant 0 : index
    %get3A_1 = vector.load %arg5[%get3A, %get3A_0] : memref<512x128xf32, #tpu.memory_space<vmem>>, vector<512x128xf32>
    %get3A_2 = arith.constant 0 : index
    %get3A_3 = arith.constant 0 : index
    %get3A_4 = vector.load %arg6[%get3A_2, %get3A_3] : memref<512x128xf32, #tpu.memory_space<vmem>>, vector<512x128xf32>
    %add3A = arith.addf %get3A_1, %get3A_4 : vector<512x128xf32>
    %reduce_sum3A = arith.constant dense<0.000000e+00> : vector<512xf32>
    %reduce_sum3A_5 = vector.multi_reduction <add>, %add3A, %reduce_sum3A [1] : vector<512x128xf32> to vector<512xf32>
    %broadcast_in_dim3A = vector.shape_cast %reduce_sum3A_5 : vector<512xf32> to vector<512x1xf32>
    %mul3A = arith.constant 7.812500e-03 : f32
    %mul3A_6 = vector.broadcast %mul3A : f32 to vector<512x1xf32>
    %mul3A_7 = arith.mulf %mul3A_6, %broadcast_in_dim3A : vector<512x1xf32>
    %add3A_8 = arith.constant 1.000000e+00 : f32
    %add3A_9 = vector.broadcast %add3A_8 : f32 to vector<512x1xf32>
    %add3A_10 = arith.addf %mul3A_7, %add3A_9 : vector<512x1xf32>
    %rsqrt3A = math.rsqrt %add3A_10 : vector<512x1xf32>
    %get3A_11 = arith.constant 0 : index
    %get3A_12 = arith.constant 0 : index
    %get3A_13 = vector.load %arg1[%get3A_11, %get3A_12] : memref<512x128xf32, #tpu.memory_space<vmem>>, vector<512x128xf32>
    %get3A_14 = arith.constant 0 : index
    %get3A_15 = arith.constant 0 : index
    %get3A_16 = vector.load %arg3[%get3A_14, %get3A_15] : memref<512x128xf32, #tpu.memory_space<vmem>>, vector<512x128xf32>
    %add3A_17 = arith.addf %get3A_13, %get3A_16 : vector<512x128xf32>
    %mul3A_18 = vector.broadcast %rsqrt3A : vector<512x1xf32> to vector<512x128xf32>
    %mul3A_19 = arith.mulf %add3A_17, %mul3A_18 : vector<512x128xf32>
    %get3A_20 = arith.constant 0 : index
    %get3A_21 = arith.constant 0 : index
    %get3A_22 = vector.load %arg2[%get3A_20, %get3A_21] : memref<512x128xf32, #tpu.memory_space<vmem>>, vector<512x128xf32>
    %get3A_23 = arith.constant 0 : index
    %get3A_24 = arith.constant 0 : index
    %get3A_25 = vector.load %arg4[%get3A_23, %get3A_24] : memref<512x128xf32, #tpu.memory_space<vmem>>, vector<512x128xf32>
    %add3A_26 = arith.addf %get3A_22, %get3A_25 : vector<512x128xf32>
    %mul3A_27 = vector.broadcast %rsqrt3A : vector<512x1xf32> to vector<512x128xf32>
    %mul3A_28 = arith.mulf %add3A_26, %mul3A_27 : vector<512x128xf32>
    %concatenate3A = tpu.concatenate %mul3A_19, %mul3A_28 in 1 : vector<512x128xf32>, vector<512x128xf32> -> vector<512x256xf32>
    %get3A_29 = arith.constant 0 : index
    %get3A_30 = arith.constant 0 : index
    %get3A_31 = vector.load %arg7[%get3A_29, %get3A_30] : memref<1x256xf32, #tpu.memory_space<vmem>>, vector<1x256xf32>
    %add3A_32 = vector.broadcast %get3A_31 : vector<1x256xf32> to vector<512x256xf32>
    %add3A_33 = arith.addf %concatenate3A, %add3A_32 : vector<512x256xf32>
    %max3A = arith.constant 0.000000e+00 : f32
    %max3A_34 = vector.broadcast %max3A : f32 to vector<512x256xf32>
    %max3A_35 = arith.maximumf %add3A_33, %max3A_34 : vector<512x256xf32>
    %iota3A = tpu.iota {dimensions = array<i32: 1>} : vector<1x768xi32>
    %get3A_36 = arith.constant 0 : index
    %get3A_37 = arith.constant 0 : index
    %get3A_38 = vector.load %arg9[%get3A_36, %get3A_37] : memref<1x768xf32, #tpu.memory_space<vmem>>, vector<1x768xf32>
    %lt3A = arith.constant 512 : i32
    %lt3A_39 = vector.broadcast %lt3A : i32 to vector<1x768xi32>
    %lt3A_40 = arith.cmpi slt, %iota3A, %lt3A_39 : vector<1x768xi32>
    %get3A_41 = arith.constant 0 : index
    %get3A_42 = arith.constant 0 : index
    %get3A_43 = vector.load %arg10[%get3A_41, %get3A_42] : memref<1x768xf32, #tpu.memory_space<vmem>>, vector<1x768xf32>
    %jit3A = arith.constant 0.000000e+00 : f32
    %broadcast_in_dim3A_44 = vector.broadcast %jit3A : f32 to vector<1x768xf32>
    %select_n3A = arith.select %lt3A_40, %get3A_43, %broadcast_in_dim3A_44 : vector<1x768xi1>, vector<1x768xf32>
    %add3A_45 = arith.addf %get3A_38, %select_n3A : vector<1x768xf32>
    %get3A_46 = arith.constant 0 : index
    %get3A_47 = arith.constant 0 : index
    %get3A_48 = vector.load %arg8[%get3A_46, %get3A_47] : memref<256x768xf32, #tpu.memory_space<vmem>>, vector<256x768xf32>
    %dot_general3A = arith.constant dense<0.000000e+00> : vector<512x768xf32>
    %dot_general3A_49 = tpu.matmul %max3A_35, %get3A_48, %dot_general3A {dimension_numbers = #tpu.dot_dimension_numbers<[1], [0], [0], [1], [0, 0, 1, 1], [], []>, transpose_lhs_hint = false} : vector<512x256xf32>, vector<256x768xf32>, vector<512x768xf32> -> vector<512x768xf32>
    %add3A_50 = vector.broadcast %add3A_45 : vector<1x768xf32> to vector<512x768xf32>
    %add3A_51 = arith.addf %dot_general3A_49, %add3A_50 : vector<512x768xf32>
    %swap3A = arith.constant 0 : index
    %swap3A_52 = arith.constant 0 : index
    %swap3A_53 = vector.load %arg11[%swap3A, %swap3A_52] : memref<512x768xf32, #tpu.memory_space<vmem>>, vector<512x768xf32>
    tpu.vector_store %arg11[%swap3A, %swap3A_52], %add3A_51 {strides = array<i32>} : memref<512x768xf32, #tpu.memory_space<vmem>>, vector<512x768xf32>,
    return
  }
  func.func @transform_0(%arg0: i32) -> (i32, i32) {
    %c0_i32 = arith.constant 0 : i32
    %c0_i32_0 = arith.constant 0 : i32
    return %arg0, %c0_i32 : i32, i32
  }
  func.func @transform_1(%arg0: i32) -> (i32, i32) {
    %add3A = arith.constant 20 : i32
    %add3A_0 = arith.addi %arg0, %add3A : i32
    %c0_i32 = arith.constant 0 : i32
    %c0_i32_1 = arith.constant 0 : i32
    return %add3A_0, %c0_i32 : i32, i32
  }
  func.func @transform_2(%arg0: i32) -> (i32, i32) {
    %c0_i32 = arith.constant 0 : i32
    %c0_i32_0 = arith.constant 0 : i32
    return %arg0, %c0_i32 : i32, i32
  }
  func.func @transform_3(%arg0: i32) -> (i32, i32) {
    %add3A = arith.constant 20 : i32
    %add3A_0 = arith.addi %arg0, %add3A : i32
    %c0_i32 = arith.constant 0 : i32
    %c0_i32_1 = arith.constant 0 : i32
    return %add3A_0, %c0_i32 : i32, i32
  }
  func.func @transform_4(%arg0: i32) -> (i32, i32) {
    %c0_i32 = arith.constant 0 : i32
    %c0_i32_0 = arith.constant 0 : i32
    return %arg0, %c0_i32 : i32, i32
  }
  func.func @transform_5(%arg0: i32) -> (i32, i32) {
    %add3A = arith.constant 20 : i32
    %add3A_0 = arith.addi %arg0, %add3A : i32
    %c0_i32 = arith.constant 0 : i32
    %c0_i32_1 = arith.constant 0 : i32
    return %add3A_0, %c0_i32 : i32, i32
  }
  func.func @transform_6(%arg0: i32) -> (i32, i32) {
    %c0_i32 = arith.constant 0 : i32
    %c0_i32_0 = arith.constant 0 : i32
    %c0_i32_1 = arith.constant 0 : i32
    return %c0_i32, %c0_i32_0 : i32, i32
  }
  func.func @transform_7(%arg0: i32) -> (i32, i32) {
    %c0_i32 = arith.constant 0 : i32
    %c0_i32_0 = arith.constant 0 : i32
    %c0_i32_1 = arith.constant 0 : i32
    return %c0_i32, %c0_i32_0 : i32, i32
  }
  func.func @transform_8(%arg0: i32) -> (i32, i32) {
    %c0_i32 = arith.constant 0 : i32
    %c0_i32_0 = arith.constant 0 : i32
    %c0_i32_1 = arith.constant 0 : i32
    return %c0_i32, %c0_i32_0 : i32, i32
  }
  func.func @transform_9(%arg0: i32) -> (i32, i32) {
    %c0_i32 = arith.constant 0 : i32
    %c0_i32_0 = arith.constant 0 : i32
    %c0_i32_1 = arith.constant 0 : i32
    return %c0_i32, %c0_i32_0 : i32, i32
  }
  func.func @transform_10(%arg0: i32) -> (i32, i32) {
    %c0_i32 = arith.constant 0 : i32
    %c0_i32_0 = arith.constant 0 : i32
    return %arg0, %c0_i32 : i32, i32
  }
}

module attributes {stable_mosaic.version = 14 : i64} {
  func.func @body(%arg0: i32, %arg1: i32, %arg2: memref<512x256xf32, #tpu.memory_space<vmem>>, %arg3: memref<256x128xf32, #tpu.memory_space<vmem>>, %arg4: memref<512x128xf32, #tpu.memory_space<vmem>>, %arg5: memref<512x128xf32, #tpu.memory_space<vmem>>, %arg6: memref<512x128xf32, #tpu.memory_space<vmem>>) attributes {dimension_semantics = [#tpu.dimension_semantics<arbitrary>, #tpu.dimension_semantics<arbitrary>], iteration_bounds = array<i64: 20, 2>, scalar_prefetch = 0 : i64, scratch_operands = 0 : i64, tpu.core_type = #tpu.core_type<tc>, window_params = [{transform_indices = @transform_0, window_bounds = array<i64: 512, 256>}, {transform_indices = @transform_1, window_bounds = array<i64: 256, 128>}, {transform_indices = @transform_2, window_bounds = array<i64: 512, 128>}, {transform_indices = @transform_3, window_bounds = array<i64: 512, 128>}, {transform_indices = @transform_4, window_bounds = array<i64: 512, 128>}]} {
    %get3A = arith.constant 0 : index
    %get3A_0 = arith.constant 0 : index
    %get3A_1 = vector.load %arg4[%get3A, %get3A_0] : memref<512x128xf32, #tpu.memory_space<vmem>>, vector<512x128xf32>
    %get3A_2 = arith.constant 0 : index
    %get3A_3 = arith.constant 0 : index
    %get3A_4 = vector.load %arg5[%get3A_2, %get3A_3] : memref<512x128xf32, #tpu.memory_space<vmem>>, vector<512x128xf32>
    %add3A = arith.addf %get3A_1, %get3A_4 : vector<512x128xf32>
    %reduce_sum3A = arith.constant dense<0.000000e+00> : vector<512xf32>
    %reduce_sum3A_5 = vector.multi_reduction <add>, %add3A, %reduce_sum3A [1] : vector<512x128xf32> to vector<512xf32>
    %broadcast_in_dim3A = vector.shape_cast %reduce_sum3A_5 : vector<512xf32> to vector<512x1xf32>
    %mul3A = arith.constant 7.812500e-03 : f32
    %mul3A_6 = vector.broadcast %mul3A : f32 to vector<512x1xf32>
    %mul3A_7 = arith.mulf %mul3A_6, %broadcast_in_dim3A : vector<512x1xf32>
    %add3A_8 = arith.constant 1.000000e+00 : f32
    %add3A_9 = vector.broadcast %add3A_8 : f32 to vector<512x1xf32>
    %add3A_10 = arith.addf %mul3A_7, %add3A_9 : vector<512x1xf32>
    %rsqrt3A = math.rsqrt %add3A_10 : vector<512x1xf32>
    %get3A_11 = arith.constant 0 : index
    %get3A_12 = arith.constant 0 : index
    %get3A_13 = vector.load %arg2[%get3A_11, %get3A_12] : memref<512x256xf32, #tpu.memory_space<vmem>>, vector<512x256xf32>
    %get3A_14 = arith.constant 0 : index
    %get3A_15 = arith.constant 0 : index
    %get3A_16 = vector.load %arg3[%get3A_14, %get3A_15] : memref<256x128xf32, #tpu.memory_space<vmem>>, vector<256x128xf32>
    %dot_general3A = arith.constant dense<0.000000e+00> : vector<512x128xf32>
    %dot_general3A_17 = tpu.matmul %get3A_13, %get3A_16, %dot_general3A {dimension_numbers = #tpu.dot_dimension_numbers<[1], [0], [0], [1], [0, 0, 1, 1], [], []>, transpose_lhs_hint = false} : vector<512x256xf32>, vector<256x128xf32>, vector<512x128xf32> -> vector<512x128xf32>
    %mul3A_18 = vector.broadcast %rsqrt3A : vector<512x1xf32> to vector<512x128xf32>
    %mul3A_19 = arith.mulf %dot_general3A_17, %mul3A_18 : vector<512x128xf32>
    %swap3A = arith.constant 0 : index
    %swap3A_20 = arith.constant 0 : index
    %swap3A_21 = vector.load %arg6[%swap3A, %swap3A_20] : memref<512x128xf32, #tpu.memory_space<vmem>>, vector<512x128xf32>
    tpu.vector_store %arg6[%swap3A, %swap3A_20], %mul3A_19 {strides = array<i32>} : memref<512x128xf32, #tpu.memory_space<vmem>>, vector<512x128xf32>,
    return
  }
  func.func @transform_0(%arg0: i32, %arg1: i32) -> (i32, i32) {
    %c0_i32 = arith.constant 0 : i32
    %c0_i32_0 = arith.constant 0 : i32
    return %arg0, %c0_i32 : i32, i32
  }
  func.func @transform_1(%arg0: i32, %arg1: i32) -> (i32, i32) {
    %c0_i32 = arith.constant 0 : i32
    %c0_i32_0 = arith.constant 0 : i32
    return %c0_i32, %arg1 : i32, i32
  }
  func.func @transform_2(%arg0: i32, %arg1: i32) -> (i32, i32) {
    %c0_i32 = arith.constant 0 : i32
    %c0_i32_0 = arith.constant 0 : i32
    return %arg0, %c0_i32 : i32, i32
  }
  func.func @transform_3(%arg0: i32, %arg1: i32) -> (i32, i32) {
    %add3A = arith.constant 20 : i32
    %add3A_0 = arith.addi %arg0, %add3A : i32
    %c0_i32 = arith.constant 0 : i32
    %c0_i32_1 = arith.constant 0 : i32
    return %add3A_0, %c0_i32 : i32, i32
  }
  func.func @transform_4(%arg0: i32, %arg1: i32) -> (i32, i32) {
    %mul3A = arith.constant 20 : i32
    %mul3A_0 = arith.muli %arg1, %mul3A : i32
    %add3A = arith.addi %mul3A_0, %arg0 : i32
    %c0_i32 = arith.constant 0 : i32
    %c0_i32_1 = arith.constant 0 : i32
    return %add3A, %c0_i32 : i32, i32
  }
}

module attributes {stable_mosaic.version = 14 : i64} {
  func.func @body(%arg0: i32, %arg1: memref<1000x768xf32, #tpu.memory_space<vmem>>, %arg2: memref<256x384xbf16, #tpu.memory_space<vmem>>, %arg3: memref<256x384xbf16, #tpu.memory_space<vmem>>, %arg4: memref<1x768xf32, #tpu.memory_space<vmem>>, %arg5: memref<256x128xf32, #tpu.memory_space<vmem>>, %arg6: memref<1x128xf32, #tpu.memory_space<vmem>>, %arg7: memref<1x128xf32, #tpu.memory_space<vmem>>, %arg8: memref<1x256xf32, #tpu.memory_space<vmem>>) attributes {dimension_semantics = [#tpu.dimension_semantics<arbitrary>], iteration_bounds = array<i64: 10>, scalar_prefetch = 0 : i64, scratch_operands = 1 : i64, tpu.core_type = #tpu.core_type<tc>, window_params = [{transform_indices = @transform_0, window_bounds = array<i64: 1000, 768>}, {pipeline_mode = #tpu.pipeline_mode<synchronous>, transform_indices = @transform_1, window_bounds = array<i64: 256, 384>}, {pipeline_mode = #tpu.pipeline_mode<synchronous>, transform_indices = @transform_2, window_bounds = array<i64: 256, 384>}, {pipeline_mode = #tpu.pipeline_mode<synchronous>, transform_indices = @transform_3, window_bounds = array<i64: 1, 768>}, {pipeline_mode = #tpu.pipeline_mode<synchronous>, transform_indices = @transform_4, window_bounds = array<i64: 256, 128>}, {pipeline_mode = #tpu.pipeline_mode<synchronous>, transform_indices = @transform_5, window_bounds = array<i64: 1, 128>}, {pipeline_mode = #tpu.pipeline_mode<synchronous>, transform_indices = @transform_6, window_bounds = array<i64: 1, 128>}]} {
    %eq3A = arith.constant 0 : i32
    %eq3A_0 = arith.cmpi eq, %arg0, %eq3A : i32
    %convert_element_type3A = arith.extui %eq3A_0 : i1 to i32
    %cond3A = arith.constant 0 : i32
    %cond3A_1 = arith.cmpi ne, %convert_element_type3A, %cond3A : i32
    scf.if %cond3A_1 {
      %broadcast_in_dim3A = arith.constant 0.000000e+00 : f32
      %broadcast_in_dim3A_19 = vector.broadcast %broadcast_in_dim3A : f32 to vector<1x256xf32>
      %swap3A_20 = arith.constant 0 : index
      %swap3A_21 = arith.constant 0 : index
      %swap3A_22 = vector.load %arg8[%swap3A_20, %swap3A_21] : memref<1x256xf32, #tpu.memory_space<vmem>>, vector<1x256xf32>
      tpu.vector_store %arg8[%swap3A_20, %swap3A_21], %broadcast_in_dim3A_19 {strides = array<i32>} : memref<1x256xf32, #tpu.memory_space<vmem>>, vector<1x256xf32>,
    } else {
    }
    %get3A = arith.constant 0 : index
    %get3A_2 = arith.constant 512 : index
    %get3A_3 = vector.load %arg4[%get3A, %get3A_2] : memref<1x768xf32, #tpu.memory_space<vmem>>, vector<1x256xf32>
    %get3A_4 = arith.constant 0 : index
    %get3A_5 = arith.constant 0 : index
    %get3A_6 = vector.load %arg8[%get3A_4, %get3A_5] : memref<1x256xf32, #tpu.memory_space<vmem>>, vector<1x256xf32>
    %scan3A = arith.constant 0 : i32
    %scan3A_7 = arith.constant 125 : i32
    %scan3A_8 = arith.addi %scan3A, %scan3A_7 : i32
    %scan3A_9 = arith.constant 1 : i32
    %scan3A_10 = scf.for %scan3A_19 = %scan3A to %scan3A_8 step %scan3A_9 iter_args(%scan3A_20 = %get3A_6) -> (vector<1x256xf32>)  : i32 {
      %mul3A = arith.constant 8 : i32
      %mul3A_21 = arith.muli %scan3A_19, %mul3A : i32
      %multiple_of3A = tpu.assume_multiple %mul3A_21, 8 : i32
      %get3A_22 = arith.index_cast %multiple_of3A : i32 to index
      %get3A_23 = arith.constant 0 : index
      %get3A_24 = vector.load %arg1[%get3A_22, %get3A_23] : memref<1000x768xf32, #tpu.memory_space<vmem>>, vector<8x768xf32>
      %slice3A = vector.extract_strided_slice %get3A_24 {offsets = [0, 0], sizes = [1, 768], strides = [1, 1]} : vector<8x768xf32> to vector<1x768xf32>
      %convert_element_type3A_25 = arith.truncf %scan3A_20 : vector<1x256xf32> to vector<1x256xbf16>
      %get3A_26 = arith.constant 0 : index
      %get3A_27 = arith.constant 0 : index
      %get3A_28 = vector.load %arg2[%get3A_26, %get3A_27] : memref<256x384xbf16, #tpu.memory_space<vmem>>, vector<256x384xbf16>
      %dot_general3A = arith.constant dense<0.000000e+00> : vector<1x384xf32>
      %dot_general3A_29 = tpu.matmul %convert_element_type3A_25, %get3A_28, %dot_general3A {dimension_numbers = #tpu.dot_dimension_numbers<[1], [0], [0], [1], [0, 0, 1, 1], [], []>, transpose_lhs_hint = false} : vector<1x256xbf16>, vector<256x384xbf16>, vector<1x384xf32> -> vector<1x384xf32>
      %get3A_30 = arith.constant 0 : index
      %get3A_31 = arith.constant 0 : index
      %get3A_32 = vector.load %arg3[%get3A_30, %get3A_31] : memref<256x384xbf16, #tpu.memory_space<vmem>>, vector<256x384xbf16>
      %dot_general3A_33 = arith.constant dense<0.000000e+00> : vector<1x384xf32>
      %dot_general3A_34 = tpu.matmul %convert_element_type3A_25, %get3A_32, %dot_general3A_33 {dimension_numbers = #tpu.dot_dimension_numbers<[1], [0], [0], [1], [0, 0, 1, 1], [], []>, transpose_lhs_hint = false} : vector<1x256xbf16>, vector<256x384xbf16>, vector<1x384xf32> -> vector<1x384xf32>
      %slice3A_35 = vector.extract_strided_slice %slice3A {offsets = [0, 0], sizes = [1, 256], strides = [1, 1]} : vector<1x768xf32> to vector<1x256xf32>
      %slice3A_36 = vector.extract_strided_slice %dot_general3A_29 {offsets = [0, 0], sizes = [1, 256], strides = [1, 1]} : vector<1x384xf32> to vector<1x256xf32>
      %add3A = arith.addf %slice3A_35, %slice3A_36 : vector<1x256xf32>
      %mul3A_37 = arith.constant 5.000000e-01 : f32
      %mul3A_38 = vector.broadcast %mul3A_37 : f32 to vector<1x256xf32>
      %mul3A_39 = arith.mulf %mul3A_38, %add3A : vector<1x256xf32>
      %tanh3A = math.tanh %mul3A_39 : vector<1x256xf32>
      %mul3A_40 = arith.constant 5.000000e-01 : f32
      %mul3A_41 = vector.broadcast %mul3A_40 : f32 to vector<1x256xf32>
      %mul3A_42 = arith.mulf %mul3A_41, %tanh3A : vector<1x256xf32>
      %add3A_43 = arith.constant 5.000000e-01 : f32
      %add3A_44 = vector.broadcast %add3A_43 : f32 to vector<1x256xf32>
      %add3A_45 = arith.addf %add3A_44, %mul3A_42 : vector<1x256xf32>
      %slice3A_46 = vector.extract_strided_slice %slice3A {offsets = [0, 256], sizes = [1, 256], strides = [1, 1]} : vector<1x768xf32> to vector<1x256xf32>
      %slice3A_47 = vector.extract_strided_slice %dot_general3A_29 {offsets = [0, 256], sizes = [1, 128], strides = [1, 1]} : vector<1x384xf32> to vector<1x128xf32>
      %slice3A_48 = vector.extract_strided_slice %dot_general3A_34 {offsets = [0, 0], sizes = [1, 128], strides = [1, 1]} : vector<1x384xf32> to vector<1x128xf32>
      %concatenate3A = tpu.concatenate %slice3A_47, %slice3A_48 in 1 : vector<1x128xf32>, vector<1x128xf32> -> vector<1x256xf32>
      %add3A_49 = arith.addf %slice3A_46, %concatenate3A : vector<1x256xf32>
      %mul3A_50 = arith.constant 5.000000e-01 : f32
      %mul3A_51 = vector.broadcast %mul3A_50 : f32 to vector<1x256xf32>
      %mul3A_52 = arith.mulf %mul3A_51, %add3A_49 : vector<1x256xf32>
      %tanh3A_53 = math.tanh %mul3A_52 : vector<1x256xf32>
      %mul3A_54 = arith.constant 5.000000e-01 : f32
      %mul3A_55 = vector.broadcast %mul3A_54 : f32 to vector<1x256xf32>
      %mul3A_56 = arith.mulf %mul3A_55, %tanh3A_53 : vector<1x256xf32>
      %add3A_57 = arith.constant 5.000000e-01 : f32
      %add3A_58 = vector.broadcast %add3A_57 : f32 to vector<1x256xf32>
      %add3A_59 = arith.addf %add3A_58, %mul3A_56 : vector<1x256xf32>
      %slice3A_60 = vector.extract_strided_slice %slice3A {offsets = [0, 512], sizes = [1, 256], strides = [1, 1]} : vector<1x768xf32> to vector<1x256xf32>
      %slice3A_61 = vector.extract_strided_slice %dot_general3A_34 {offsets = [0, 128], sizes = [1, 256], strides = [1, 1]} : vector<1x384xf32> to vector<1x256xf32>
      %add3A_62 = arith.addf %slice3A_61, %get3A_3 : vector<1x256xf32>
      %mul3A_63 = arith.mulf %add3A_45, %add3A_62 : vector<1x256xf32>
      %add3A_64 = arith.addf %slice3A_60, %mul3A_63 : vector<1x256xf32>
      %tanh3A_65 = math.tanh %add3A_64 : vector<1x256xf32>
      %sub3A = arith.subf %scan3A_20, %tanh3A_65 : vector<1x256xf32>
      %mul3A_66 = arith.mulf %add3A_59, %sub3A : vector<1x256xf32>
      %add3A_67 = arith.addf %tanh3A_65, %mul3A_66 : vector<1x256xf32>
      %slice3A_68 = vector.extract_strided_slice %get3A_24 {offsets = [1, 0], sizes = [1, 768], strides = [1, 1]} : vector<8x768xf32> to vector<1x768xf32>
      %convert_element_type3A_69 = arith.truncf %add3A_67 : vector<1x256xf32> to vector<1x256xbf16>
      %get3A_70 = arith.constant 0 : index
      %get3A_71 = arith.constant 0 : index
      %get3A_72 = vector.load %arg2[%get3A_70, %get3A_71] : memref<256x384xbf16, #tpu.memory_space<vmem>>, vector<256x384xbf16>
      %dot_general3A_73 = arith.constant dense<0.000000e+00> : vector<1x384xf32>
      %dot_general3A_74 = tpu.matmul %convert_element_type3A_69, %get3A_72, %dot_general3A_73 {dimension_numbers = #tpu.dot_dimension_numbers<[1], [0], [0], [1], [0, 0, 1, 1], [], []>, transpose_lhs_hint = false} : vector<1x256xbf16>, vector<256x384xbf16>, vector<1x384xf32> -> vector<1x384xf32>
      %get3A_75 = arith.constant 0 : index
      %get3A_76 = arith.constant 0 : index
      %get3A_77 = vector.load %arg3[%get3A_75, %get3A_76] : memref<256x384xbf16, #tpu.memory_space<vmem>>, vector<256x384xbf16>
      %dot_general3A_78 = arith.constant dense<0.000000e+00> : vector<1x384xf32>
      %dot_general3A_79 = tpu.matmul %convert_element_type3A_69, %get3A_77, %dot_general3A_78 {dimension_numbers = #tpu.dot_dimension_numbers<[1], [0], [0], [1], [0, 0, 1, 1], [], []>, transpose_lhs_hint = false} : vector<1x256xbf16>, vector<256x384xbf16>, vector<1x384xf32> -> vector<1x384xf32>
      %slice3A_80 = vector.extract_strided_slice %slice3A_68 {offsets = [0, 0], sizes = [1, 256], strides = [1, 1]} : vector<1x768xf32> to vector<1x256xf32>
      %slice3A_81 = vector.extract_strided_slice %dot_general3A_74 {offsets = [0, 0], sizes = [1, 256], strides = [1, 1]} : vector<1x384xf32> to vector<1x256xf32>
      %add3A_82 = arith.addf %slice3A_80, %slice3A_81 : vector<1x256xf32>
      %mul3A_83 = arith.constant 5.000000e-01 : f32
      %mul3A_84 = vector.broadcast %mul3A_83 : f32 to vector<1x256xf32>
      %mul3A_85 = arith.mulf %mul3A_84, %add3A_82 : vector<1x256xf32>
      %tanh3A_86 = math.tanh %mul3A_85 : vector<1x256xf32>
      %mul3A_87 = arith.constant 5.000000e-01 : f32
      %mul3A_88 = vector.broadcast %mul3A_87 : f32 to vector<1x256xf32>
      %mul3A_89 = arith.mulf %mul3A_88, %tanh3A_86 : vector<1x256xf32>
      %add3A_90 = arith.constant 5.000000e-01 : f32
      %add3A_91 = vector.broadcast %add3A_90 : f32 to vector<1x256xf32>
      %add3A_92 = arith.addf %add3A_91, %mul3A_89 : vector<1x256xf32>
      %slice3A_93 = vector.extract_strided_slice %slice3A_68 {offsets = [0, 256], sizes = [1, 256], strides = [1, 1]} : vector<1x768xf32> to vector<1x256xf32>
      %slice3A_94 = vector.extract_strided_slice %dot_general3A_74 {offsets = [0, 256], sizes = [1, 128], strides = [1, 1]} : vector<1x384xf32> to vector<1x128xf32>
      %slice3A_95 = vector.extract_strided_slice %dot_general3A_79 {offsets = [0, 0], sizes = [1, 128], strides = [1, 1]} : vector<1x384xf32> to vector<1x128xf32>
      %concatenate3A_96 = tpu.concatenate %slice3A_94, %slice3A_95 in 1 : vector<1x128xf32>, vector<1x128xf32> -> vector<1x256xf32>
      %add3A_97 = arith.addf %slice3A_93, %concatenate3A_96 : vector<1x256xf32>
      %mul3A_98 = arith.constant 5.000000e-01 : f32
      %mul3A_99 = vector.broadcast %mul3A_98 : f32 to vector<1x256xf32>
      %mul3A_100 = arith.mulf %mul3A_99, %add3A_97 : vector<1x256xf32>
      %tanh3A_101 = math.tanh %mul3A_100 : vector<1x256xf32>
      %mul3A_102 = arith.constant 5.000000e-01 : f32
      %mul3A_103 = vector.broadcast %mul3A_102 : f32 to vector<1x256xf32>
      %mul3A_104 = arith.mulf %mul3A_103, %tanh3A_101 : vector<1x256xf32>
      %add3A_105 = arith.constant 5.000000e-01 : f32
      %add3A_106 = vector.broadcast %add3A_105 : f32 to vector<1x256xf32>
      %add3A_107 = arith.addf %add3A_106, %mul3A_104 : vector<1x256xf32>
      %slice3A_108 = vector.extract_strided_slice %slice3A_68 {offsets = [0, 512], sizes = [1, 256], strides = [1, 1]} : vector<1x768xf32> to vector<1x256xf32>
      %slice3A_109 = vector.extract_strided_slice %dot_general3A_79 {offsets = [0, 128], sizes = [1, 256], strides = [1, 1]} : vector<1x384xf32> to vector<1x256xf32>
      %add3A_110 = arith.addf %slice3A_109, %get3A_3 : vector<1x256xf32>
      %mul3A_111 = arith.mulf %add3A_92, %add3A_110 : vector<1x256xf32>
      %add3A_112 = arith.addf %slice3A_108, %mul3A_111 : vector<1x256xf32>
      %tanh3A_113 = math.tanh %add3A_112 : vector<1x256xf32>
      %sub3A_114 = arith.subf %add3A_67, %tanh3A_113 : vector<1x256xf32>
      %mul3A_115 = arith.mulf %add3A_107, %sub3A_114 : vector<1x256xf32>
      %add3A_116 = arith.addf %tanh3A_113, %mul3A_115 : vector<1x256xf32>
      %slice3A_117 = vector.extract_strided_slice %get3A_24 {offsets = [2, 0], sizes = [1, 768], strides = [1, 1]} : vector<8x768xf32> to vector<1x768xf32>
      %convert_element_type3A_118 = arith.truncf %add3A_116 : vector<1x256xf32> to vector<1x256xbf16>
      %get3A_119 = arith.constant 0 : index
      %get3A_120 = arith.constant 0 : index
      %get3A_121 = vector.load %arg2[%get3A_119, %get3A_120] : memref<256x384xbf16, #tpu.memory_space<vmem>>, vector<256x384xbf16>
      %dot_general3A_122 = arith.constant dense<0.000000e+00> : vector<1x384xf32>
      %dot_general3A_123 = tpu.matmul %convert_element_type3A_118, %get3A_121, %dot_general3A_122 {dimension_numbers = #tpu.dot_dimension_numbers<[1], [0], [0], [1], [0, 0, 1, 1], [], []>, transpose_lhs_hint = false} : vector<1x256xbf16>, vector<256x384xbf16>, vector<1x384xf32> -> vector<1x384xf32>
      %get3A_124 = arith.constant 0 : index
      %get3A_125 = arith.constant 0 : index
      %get3A_126 = vector.load %arg3[%get3A_124, %get3A_125] : memref<256x384xbf16, #tpu.memory_space<vmem>>, vector<256x384xbf16>
      %dot_general3A_127 = arith.constant dense<0.000000e+00> : vector<1x384xf32>
      %dot_general3A_128 = tpu.matmul %convert_element_type3A_118, %get3A_126, %dot_general3A_127 {dimension_numbers = #tpu.dot_dimension_numbers<[1], [0], [0], [1], [0, 0, 1, 1], [], []>, transpose_lhs_hint = false} : vector<1x256xbf16>, vector<256x384xbf16>, vector<1x384xf32> -> vector<1x384xf32>
      %slice3A_129 = vector.extract_strided_slice %slice3A_117 {offsets = [0, 0], sizes = [1, 256], strides = [1, 1]} : vector<1x768xf32> to vector<1x256xf32>
      %slice3A_130 = vector.extract_strided_slice %dot_general3A_123 {offsets = [0, 0], sizes = [1, 256], strides = [1, 1]} : vector<1x384xf32> to vector<1x256xf32>
      %add3A_131 = arith.addf %slice3A_129, %slice3A_130 : vector<1x256xf32>
      %mul3A_132 = arith.constant 5.000000e-01 : f32
      %mul3A_133 = vector.broadcast %mul3A_132 : f32 to vector<1x256xf32>
      %mul3A_134 = arith.mulf %mul3A_133, %add3A_131 : vector<1x256xf32>
      %tanh3A_135 = math.tanh %mul3A_134 : vector<1x256xf32>
      %mul3A_136 = arith.constant 5.000000e-01 : f32
      %mul3A_137 = vector.broadcast %mul3A_136 : f32 to vector<1x256xf32>
      %mul3A_138 = arith.mulf %mul3A_137, %tanh3A_135 : vector<1x256xf32>
      %add3A_139 = arith.constant 5.000000e-01 : f32
      %add3A_140 = vector.broadcast %add3A_139 : f32 to vector<1x256xf32>
      %add3A_141 = arith.addf %add3A_140, %mul3A_138 : vector<1x256xf32>
      %slice3A_142 = vector.extract_strided_slice %slice3A_117 {offsets = [0, 256], sizes = [1, 256], strides = [1, 1]} : vector<1x768xf32> to vector<1x256xf32>
      %slice3A_143 = vector.extract_strided_slice %dot_general3A_123 {offsets = [0, 256], sizes = [1, 128], strides = [1, 1]} : vector<1x384xf32> to vector<1x128xf32>
      %slice3A_144 = vector.extract_strided_slice %dot_general3A_128 {offsets = [0, 0], sizes = [1, 128], strides = [1, 1]} : vector<1x384xf32> to vector<1x128xf32>
      %concatenate3A_145 = tpu.concatenate %slice3A_143, %slice3A_144 in 1 : vector<1x128xf32>, vector<1x128xf32> -> vector<1x256xf32>
      %add3A_146 = arith.addf %slice3A_142, %concatenate3A_145 : vector<1x256xf32>
      %mul3A_147 = arith.constant 5.000000e-01 : f32
      %mul3A_148 = vector.broadcast %mul3A_147 : f32 to vector<1x256xf32>
      %mul3A_149 = arith.mulf %mul3A_148, %add3A_146 : vector<1x256xf32>
      %tanh3A_150 = math.tanh %mul3A_149 : vector<1x256xf32>
      %mul3A_151 = arith.constant 5.000000e-01 : f32
      %mul3A_152 = vector.broadcast %mul3A_151 : f32 to vector<1x256xf32>
      %mul3A_153 = arith.mulf %mul3A_152, %tanh3A_150 : vector<1x256xf32>
      %add3A_154 = arith.constant 5.000000e-01 : f32
      %add3A_155 = vector.broadcast %add3A_154 : f32 to vector<1x256xf32>
      %add3A_156 = arith.addf %add3A_155, %mul3A_153 : vector<1x256xf32>
      %slice3A_157 = vector.extract_strided_slice %slice3A_117 {offsets = [0, 512], sizes = [1, 256], strides = [1, 1]} : vector<1x768xf32> to vector<1x256xf32>
      %slice3A_158 = vector.extract_strided_slice %dot_general3A_128 {offsets = [0, 128], sizes = [1, 256], strides = [1, 1]} : vector<1x384xf32> to vector<1x256xf32>
      %add3A_159 = arith.addf %slice3A_158, %get3A_3 : vector<1x256xf32>
      %mul3A_160 = arith.mulf %add3A_141, %add3A_159 : vector<1x256xf32>
      %add3A_161 = arith.addf %slice3A_157, %mul3A_160 : vector<1x256xf32>
      %tanh3A_162 = math.tanh %add3A_161 : vector<1x256xf32>
      %sub3A_163 = arith.subf %add3A_116, %tanh3A_162 : vector<1x256xf32>
      %mul3A_164 = arith.mulf %add3A_156, %sub3A_163 : vector<1x256xf32>
      %add3A_165 = arith.addf %tanh3A_162, %mul3A_164 : vector<1x256xf32>
      %slice3A_166 = vector.extract_strided_slice %get3A_24 {offsets = [3, 0], sizes = [1, 768], strides = [1, 1]} : vector<8x768xf32> to vector<1x768xf32>
      %convert_element_type3A_167 = arith.truncf %add3A_165 : vector<1x256xf32> to vector<1x256xbf16>
      %get3A_168 = arith.constant 0 : index
      %get3A_169 = arith.constant 0 : index
      %get3A_170 = vector.load %arg2[%get3A_168, %get3A_169] : memref<256x384xbf16, #tpu.memory_space<vmem>>, vector<256x384xbf16>
      %dot_general3A_171 = arith.constant dense<0.000000e+00> : vector<1x384xf32>
      %dot_general3A_172 = tpu.matmul %convert_element_type3A_167, %get3A_170, %dot_general3A_171 {dimension_numbers = #tpu.dot_dimension_numbers<[1], [0], [0], [1], [0, 0, 1, 1], [], []>, transpose_lhs_hint = false} : vector<1x256xbf16>, vector<256x384xbf16>, vector<1x384xf32> -> vector<1x384xf32>
      %get3A_173 = arith.constant 0 : index
      %get3A_174 = arith.constant 0 : index
      %get3A_175 = vector.load %arg3[%get3A_173, %get3A_174] : memref<256x384xbf16, #tpu.memory_space<vmem>>, vector<256x384xbf16>
      %dot_general3A_176 = arith.constant dense<0.000000e+00> : vector<1x384xf32>
      %dot_general3A_177 = tpu.matmul %convert_element_type3A_167, %get3A_175, %dot_general3A_176 {dimension_numbers = #tpu.dot_dimension_numbers<[1], [0], [0], [1], [0, 0, 1, 1], [], []>, transpose_lhs_hint = false} : vector<1x256xbf16>, vector<256x384xbf16>, vector<1x384xf32> -> vector<1x384xf32>
      %slice3A_178 = vector.extract_strided_slice %slice3A_166 {offsets = [0, 0], sizes = [1, 256], strides = [1, 1]} : vector<1x768xf32> to vector<1x256xf32>
      %slice3A_179 = vector.extract_strided_slice %dot_general3A_172 {offsets = [0, 0], sizes = [1, 256], strides = [1, 1]} : vector<1x384xf32> to vector<1x256xf32>
      %add3A_180 = arith.addf %slice3A_178, %slice3A_179 : vector<1x256xf32>
      %mul3A_181 = arith.constant 5.000000e-01 : f32
      %mul3A_182 = vector.broadcast %mul3A_181 : f32 to vector<1x256xf32>
      %mul3A_183 = arith.mulf %mul3A_182, %add3A_180 : vector<1x256xf32>
      %tanh3A_184 = math.tanh %mul3A_183 : vector<1x256xf32>
      %mul3A_185 = arith.constant 5.000000e-01 : f32
      %mul3A_186 = vector.broadcast %mul3A_185 : f32 to vector<1x256xf32>
      %mul3A_187 = arith.mulf %mul3A_186, %tanh3A_184 : vector<1x256xf32>
      %add3A_188 = arith.constant 5.000000e-01 : f32
      %add3A_189 = vector.broadcast %add3A_188 : f32 to vector<1x256xf32>
      %add3A_190 = arith.addf %add3A_189, %mul3A_187 : vector<1x256xf32>
      %slice3A_191 = vector.extract_strided_slice %slice3A_166 {offsets = [0, 256], sizes = [1, 256], strides = [1, 1]} : vector<1x768xf32> to vector<1x256xf32>
      %slice3A_192 = vector.extract_strided_slice %dot_general3A_172 {offsets = [0, 256], sizes = [1, 128], strides = [1, 1]} : vector<1x384xf32> to vector<1x128xf32>
      %slice3A_193 = vector.extract_strided_slice %dot_general3A_177 {offsets = [0, 0], sizes = [1, 128], strides = [1, 1]} : vector<1x384xf32> to vector<1x128xf32>
      %concatenate3A_194 = tpu.concatenate %slice3A_192, %slice3A_193 in 1 : vector<1x128xf32>, vector<1x128xf32> -> vector<1x256xf32>
      %add3A_195 = arith.addf %slice3A_191, %concatenate3A_194 : vector<1x256xf32>
      %mul3A_196 = arith.constant 5.000000e-01 : f32
      %mul3A_197 = vector.broadcast %mul3A_196 : f32 to vector<1x256xf32>
      %mul3A_198 = arith.mulf %mul3A_197, %add3A_195 : vector<1x256xf32>
      %tanh3A_199 = math.tanh %mul3A_198 : vector<1x256xf32>
      %mul3A_200 = arith.constant 5.000000e-01 : f32
      %mul3A_201 = vector.broadcast %mul3A_200 : f32 to vector<1x256xf32>
      %mul3A_202 = arith.mulf %mul3A_201, %tanh3A_199 : vector<1x256xf32>
      %add3A_203 = arith.constant 5.000000e-01 : f32
      %add3A_204 = vector.broadcast %add3A_203 : f32 to vector<1x256xf32>
      %add3A_205 = arith.addf %add3A_204, %mul3A_202 : vector<1x256xf32>
      %slice3A_206 = vector.extract_strided_slice %slice3A_166 {offsets = [0, 512], sizes = [1, 256], strides = [1, 1]} : vector<1x768xf32> to vector<1x256xf32>
      %slice3A_207 = vector.extract_strided_slice %dot_general3A_177 {offsets = [0, 128], sizes = [1, 256], strides = [1, 1]} : vector<1x384xf32> to vector<1x256xf32>
      %add3A_208 = arith.addf %slice3A_207, %get3A_3 : vector<1x256xf32>
      %mul3A_209 = arith.mulf %add3A_190, %add3A_208 : vector<1x256xf32>
      %add3A_210 = arith.addf %slice3A_206, %mul3A_209 : vector<1x256xf32>
      %tanh3A_211 = math.tanh %add3A_210 : vector<1x256xf32>
      %sub3A_212 = arith.subf %add3A_165, %tanh3A_211 : vector<1x256xf32>
      %mul3A_213 = arith.mulf %add3A_205, %sub3A_212 : vector<1x256xf32>
      %add3A_214 = arith.addf %tanh3A_211, %mul3A_213 : vector<1x256xf32>
      %slice3A_215 = vector.extract_strided_slice %get3A_24 {offsets = [4, 0], sizes = [1, 768], strides = [1, 1]} : vector<8x768xf32> to vector<1x768xf32>
      %convert_element_type3A_216 = arith.truncf %add3A_214 : vector<1x256xf32> to vector<1x256xbf16>
      %get3A_217 = arith.constant 0 : index
      %get3A_218 = arith.constant 0 : index
      %get3A_219 = vector.load %arg2[%get3A_217, %get3A_218] : memref<256x384xbf16, #tpu.memory_space<vmem>>, vector<256x384xbf16>
      %dot_general3A_220 = arith.constant dense<0.000000e+00> : vector<1x384xf32>
      %dot_general3A_221 = tpu.matmul %convert_element_type3A_216, %get3A_219, %dot_general3A_220 {dimension_numbers = #tpu.dot_dimension_numbers<[1], [0], [0], [1], [0, 0, 1, 1], [], []>, transpose_lhs_hint = false} : vector<1x256xbf16>, vector<256x384xbf16>, vector<1x384xf32> -> vector<1x384xf32>
      %get3A_222 = arith.constant 0 : index
      %get3A_223 = arith.constant 0 : index
      %get3A_224 = vector.load %arg3[%get3A_222, %get3A_223] : memref<256x384xbf16, #tpu.memory_space<vmem>>, vector<256x384xbf16>
      %dot_general3A_225 = arith.constant dense<0.000000e+00> : vector<1x384xf32>
      %dot_general3A_226 = tpu.matmul %convert_element_type3A_216, %get3A_224, %dot_general3A_225 {dimension_numbers = #tpu.dot_dimension_numbers<[1], [0], [0], [1], [0, 0, 1, 1], [], []>, transpose_lhs_hint = false} : vector<1x256xbf16>, vector<256x384xbf16>, vector<1x384xf32> -> vector<1x384xf32>
      %slice3A_227 = vector.extract_strided_slice %slice3A_215 {offsets = [0, 0], sizes = [1, 256], strides = [1, 1]} : vector<1x768xf32> to vector<1x256xf32>
      %slice3A_228 = vector.extract_strided_slice %dot_general3A_221 {offsets = [0, 0], sizes = [1, 256], strides = [1, 1]} : vector<1x384xf32> to vector<1x256xf32>
      %add3A_229 = arith.addf %slice3A_227, %slice3A_228 : vector<1x256xf32>
      %mul3A_230 = arith.constant 5.000000e-01 : f32
      %mul3A_231 = vector.broadcast %mul3A_230 : f32 to vector<1x256xf32>
      %mul3A_232 = arith.mulf %mul3A_231, %add3A_229 : vector<1x256xf32>
      %tanh3A_233 = math.tanh %mul3A_232 : vector<1x256xf32>
      %mul3A_234 = arith.constant 5.000000e-01 : f32
      %mul3A_235 = vector.broadcast %mul3A_234 : f32 to vector<1x256xf32>
      %mul3A_236 = arith.mulf %mul3A_235, %tanh3A_233 : vector<1x256xf32>
      %add3A_237 = arith.constant 5.000000e-01 : f32
      %add3A_238 = vector.broadcast %add3A_237 : f32 to vector<1x256xf32>
      %add3A_239 = arith.addf %add3A_238, %mul3A_236 : vector<1x256xf32>
      %slice3A_240 = vector.extract_strided_slice %slice3A_215 {offsets = [0, 256], sizes = [1, 256], strides = [1, 1]} : vector<1x768xf32> to vector<1x256xf32>
      %slice3A_241 = vector.extract_strided_slice %dot_general3A_221 {offsets = [0, 256], sizes = [1, 128], strides = [1, 1]} : vector<1x384xf32> to vector<1x128xf32>
      %slice3A_242 = vector.extract_strided_slice %dot_general3A_226 {offsets = [0, 0], sizes = [1, 128], strides = [1, 1]} : vector<1x384xf32> to vector<1x128xf32>
      %concatenate3A_243 = tpu.concatenate %slice3A_241, %slice3A_242 in 1 : vector<1x128xf32>, vector<1x128xf32> -> vector<1x256xf32>
      %add3A_244 = arith.addf %slice3A_240, %concatenate3A_243 : vector<1x256xf32>
      %mul3A_245 = arith.constant 5.000000e-01 : f32
      %mul3A_246 = vector.broadcast %mul3A_245 : f32 to vector<1x256xf32>
      %mul3A_247 = arith.mulf %mul3A_246, %add3A_244 : vector<1x256xf32>
      %tanh3A_248 = math.tanh %mul3A_247 : vector<1x256xf32>
      %mul3A_249 = arith.constant 5.000000e-01 : f32
      %mul3A_250 = vector.broadcast %mul3A_249 : f32 to vector<1x256xf32>
      %mul3A_251 = arith.mulf %mul3A_250, %tanh3A_248 : vector<1x256xf32>
      %add3A_252 = arith.constant 5.000000e-01 : f32
      %add3A_253 = vector.broadcast %add3A_252 : f32 to vector<1x256xf32>
      %add3A_254 = arith.addf %add3A_253, %mul3A_251 : vector<1x256xf32>
      %slice3A_255 = vector.extract_strided_slice %slice3A_215 {offsets = [0, 512], sizes = [1, 256], strides = [1, 1]} : vector<1x768xf32> to vector<1x256xf32>
      %slice3A_256 = vector.extract_strided_slice %dot_general3A_226 {offsets = [0, 128], sizes = [1, 256], strides = [1, 1]} : vector<1x384xf32> to vector<1x256xf32>
      %add3A_257 = arith.addf %slice3A_256, %get3A_3 : vector<1x256xf32>
      %mul3A_258 = arith.mulf %add3A_239, %add3A_257 : vector<1x256xf32>
      %add3A_259 = arith.addf %slice3A_255, %mul3A_258 : vector<1x256xf32>
      %tanh3A_260 = math.tanh %add3A_259 : vector<1x256xf32>
      %sub3A_261 = arith.subf %add3A_214, %tanh3A_260 : vector<1x256xf32>
      %mul3A_262 = arith.mulf %add3A_254, %sub3A_261 : vector<1x256xf32>
      %add3A_263 = arith.addf %tanh3A_260, %mul3A_262 : vector<1x256xf32>
      %slice3A_264 = vector.extract_strided_slice %get3A_24 {offsets = [5, 0], sizes = [1, 768], strides = [1, 1]} : vector<8x768xf32> to vector<1x768xf32>
      %convert_element_type3A_265 = arith.truncf %add3A_263 : vector<1x256xf32> to vector<1x256xbf16>
      %get3A_266 = arith.constant 0 : index
      %get3A_267 = arith.constant 0 : index
      %get3A_268 = vector.load %arg2[%get3A_266, %get3A_267] : memref<256x384xbf16, #tpu.memory_space<vmem>>, vector<256x384xbf16>
      %dot_general3A_269 = arith.constant dense<0.000000e+00> : vector<1x384xf32>
      %dot_general3A_270 = tpu.matmul %convert_element_type3A_265, %get3A_268, %dot_general3A_269 {dimension_numbers = #tpu.dot_dimension_numbers<[1], [0], [0], [1], [0, 0, 1, 1], [], []>, transpose_lhs_hint = false} : vector<1x256xbf16>, vector<256x384xbf16>, vector<1x384xf32> -> vector<1x384xf32>
      %get3A_271 = arith.constant 0 : index
      %get3A_272 = arith.constant 0 : index
      %get3A_273 = vector.load %arg3[%get3A_271, %get3A_272] : memref<256x384xbf16, #tpu.memory_space<vmem>>, vector<256x384xbf16>
      %dot_general3A_274 = arith.constant dense<0.000000e+00> : vector<1x384xf32>
      %dot_general3A_275 = tpu.matmul %convert_element_type3A_265, %get3A_273, %dot_general3A_274 {dimension_numbers = #tpu.dot_dimension_numbers<[1], [0], [0], [1], [0, 0, 1, 1], [], []>, transpose_lhs_hint = false} : vector<1x256xbf16>, vector<256x384xbf16>, vector<1x384xf32> -> vector<1x384xf32>
      %slice3A_276 = vector.extract_strided_slice %slice3A_264 {offsets = [0, 0], sizes = [1, 256], strides = [1, 1]} : vector<1x768xf32> to vector<1x256xf32>
      %slice3A_277 = vector.extract_strided_slice %dot_general3A_270 {offsets = [0, 0], sizes = [1, 256], strides = [1, 1]} : vector<1x384xf32> to vector<1x256xf32>
      %add3A_278 = arith.addf %slice3A_276, %slice3A_277 : vector<1x256xf32>
      %mul3A_279 = arith.constant 5.000000e-01 : f32
      %mul3A_280 = vector.broadcast %mul3A_279 : f32 to vector<1x256xf32>
      %mul3A_281 = arith.mulf %mul3A_280, %add3A_278 : vector<1x256xf32>
      %tanh3A_282 = math.tanh %mul3A_281 : vector<1x256xf32>
      %mul3A_283 = arith.constant 5.000000e-01 : f32
      %mul3A_284 = vector.broadcast %mul3A_283 : f32 to vector<1x256xf32>
      %mul3A_285 = arith.mulf %mul3A_284, %tanh3A_282 : vector<1x256xf32>
      %add3A_286 = arith.constant 5.000000e-01 : f32
      %add3A_287 = vector.broadcast %add3A_286 : f32 to vector<1x256xf32>
      %add3A_288 = arith.addf %add3A_287, %mul3A_285 : vector<1x256xf32>
      %slice3A_289 = vector.extract_strided_slice %slice3A_264 {offsets = [0, 256], sizes = [1, 256], strides = [1, 1]} : vector<1x768xf32> to vector<1x256xf32>
      %slice3A_290 = vector.extract_strided_slice %dot_general3A_270 {offsets = [0, 256], sizes = [1, 128], strides = [1, 1]} : vector<1x384xf32> to vector<1x128xf32>
      %slice3A_291 = vector.extract_strided_slice %dot_general3A_275 {offsets = [0, 0], sizes = [1, 128], strides = [1, 1]} : vector<1x384xf32> to vector<1x128xf32>
      %concatenate3A_292 = tpu.concatenate %slice3A_290, %slice3A_291 in 1 : vector<1x128xf32>, vector<1x128xf32> -> vector<1x256xf32>
      %add3A_293 = arith.addf %slice3A_289, %concatenate3A_292 : vector<1x256xf32>
      %mul3A_294 = arith.constant 5.000000e-01 : f32
      %mul3A_295 = vector.broadcast %mul3A_294 : f32 to vector<1x256xf32>
      %mul3A_296 = arith.mulf %mul3A_295, %add3A_293 : vector<1x256xf32>
      %tanh3A_297 = math.tanh %mul3A_296 : vector<1x256xf32>
      %mul3A_298 = arith.constant 5.000000e-01 : f32
      %mul3A_299 = vector.broadcast %mul3A_298 : f32 to vector<1x256xf32>
      %mul3A_300 = arith.mulf %mul3A_299, %tanh3A_297 : vector<1x256xf32>
      %add3A_301 = arith.constant 5.000000e-01 : f32
      %add3A_302 = vector.broadcast %add3A_301 : f32 to vector<1x256xf32>
      %add3A_303 = arith.addf %add3A_302, %mul3A_300 : vector<1x256xf32>
      %slice3A_304 = vector.extract_strided_slice %slice3A_264 {offsets = [0, 512], sizes = [1, 256], strides = [1, 1]} : vector<1x768xf32> to vector<1x256xf32>
      %slice3A_305 = vector.extract_strided_slice %dot_general3A_275 {offsets = [0, 128], sizes = [1, 256], strides = [1, 1]} : vector<1x384xf32> to vector<1x256xf32>
      %add3A_306 = arith.addf %slice3A_305, %get3A_3 : vector<1x256xf32>
      %mul3A_307 = arith.mulf %add3A_288, %add3A_306 : vector<1x256xf32>
      %add3A_308 = arith.addf %slice3A_304, %mul3A_307 : vector<1x256xf32>
      %tanh3A_309 = math.tanh %add3A_308 : vector<1x256xf32>
      %sub3A_310 = arith.subf %add3A_263, %tanh3A_309 : vector<1x256xf32>
      %mul3A_311 = arith.mulf %add3A_303, %sub3A_310 : vector<1x256xf32>
      %add3A_312 = arith.addf %tanh3A_309, %mul3A_311 : vector<1x256xf32>
      %slice3A_313 = vector.extract_strided_slice %get3A_24 {offsets = [6, 0], sizes = [1, 768], strides = [1, 1]} : vector<8x768xf32> to vector<1x768xf32>
      %convert_element_type3A_314 = arith.truncf %add3A_312 : vector<1x256xf32> to vector<1x256xbf16>
      %get3A_315 = arith.constant 0 : index
      %get3A_316 = arith.constant 0 : index
      %get3A_317 = vector.load %arg2[%get3A_315, %get3A_316] : memref<256x384xbf16, #tpu.memory_space<vmem>>, vector<256x384xbf16>
      %dot_general3A_318 = arith.constant dense<0.000000e+00> : vector<1x384xf32>
      %dot_general3A_319 = tpu.matmul %convert_element_type3A_314, %get3A_317, %dot_general3A_318 {dimension_numbers = #tpu.dot_dimension_numbers<[1], [0], [0], [1], [0, 0, 1, 1], [], []>, transpose_lhs_hint = false} : vector<1x256xbf16>, vector<256x384xbf16>, vector<1x384xf32> -> vector<1x384xf32>
      %get3A_320 = arith.constant 0 : index
      %get3A_321 = arith.constant 0 : index
      %get3A_322 = vector.load %arg3[%get3A_320, %get3A_321] : memref<256x384xbf16, #tpu.memory_space<vmem>>, vector<256x384xbf16>
      %dot_general3A_323 = arith.constant dense<0.000000e+00> : vector<1x384xf32>
      %dot_general3A_324 = tpu.matmul %convert_element_type3A_314, %get3A_322, %dot_general3A_323 {dimension_numbers = #tpu.dot_dimension_numbers<[1], [0], [0], [1], [0, 0, 1, 1], [], []>, transpose_lhs_hint = false} : vector<1x256xbf16>, vector<256x384xbf16>, vector<1x384xf32> -> vector<1x384xf32>
      %slice3A_325 = vector.extract_strided_slice %slice3A_313 {offsets = [0, 0], sizes = [1, 256], strides = [1, 1]} : vector<1x768xf32> to vector<1x256xf32>
      %slice3A_326 = vector.extract_strided_slice %dot_general3A_319 {offsets = [0, 0], sizes = [1, 256], strides = [1, 1]} : vector<1x384xf32> to vector<1x256xf32>
      %add3A_327 = arith.addf %slice3A_325, %slice3A_326 : vector<1x256xf32>
      %mul3A_328 = arith.constant 5.000000e-01 : f32
      %mul3A_329 = vector.broadcast %mul3A_328 : f32 to vector<1x256xf32>
      %mul3A_330 = arith.mulf %mul3A_329, %add3A_327 : vector<1x256xf32>
      %tanh3A_331 = math.tanh %mul3A_330 : vector<1x256xf32>
      %mul3A_332 = arith.constant 5.000000e-01 : f32
      %mul3A_333 = vector.broadcast %mul3A_332 : f32 to vector<1x256xf32>
      %mul3A_334 = arith.mulf %mul3A_333, %tanh3A_331 : vector<1x256xf32>
      %add3A_335 = arith.constant 5.000000e-01 : f32
      %add3A_336 = vector.broadcast %add3A_335 : f32 to vector<1x256xf32>
      %add3A_337 = arith.addf %add3A_336, %mul3A_334 : vector<1x256xf32>
      %slice3A_338 = vector.extract_strided_slice %slice3A_313 {offsets = [0, 256], sizes = [1, 256], strides = [1, 1]} : vector<1x768xf32> to vector<1x256xf32>
      %slice3A_339 = vector.extract_strided_slice %dot_general3A_319 {offsets = [0, 256], sizes = [1, 128], strides = [1, 1]} : vector<1x384xf32> to vector<1x128xf32>
      %slice3A_340 = vector.extract_strided_slice %dot_general3A_324 {offsets = [0, 0], sizes = [1, 128], strides = [1, 1]} : vector<1x384xf32> to vector<1x128xf32>
      %concatenate3A_341 = tpu.concatenate %slice3A_339, %slice3A_340 in 1 : vector<1x128xf32>, vector<1x128xf32> -> vector<1x256xf32>
      %add3A_342 = arith.addf %slice3A_338, %concatenate3A_341 : vector<1x256xf32>
      %mul3A_343 = arith.constant 5.000000e-01 : f32
      %mul3A_344 = vector.broadcast %mul3A_343 : f32 to vector<1x256xf32>
      %mul3A_345 = arith.mulf %mul3A_344, %add3A_342 : vector<1x256xf32>
      %tanh3A_346 = math.tanh %mul3A_345 : vector<1x256xf32>
      %mul3A_347 = arith.constant 5.000000e-01 : f32
      %mul3A_348 = vector.broadcast %mul3A_347 : f32 to vector<1x256xf32>
      %mul3A_349 = arith.mulf %mul3A_348, %tanh3A_346 : vector<1x256xf32>
      %add3A_350 = arith.constant 5.000000e-01 : f32
      %add3A_351 = vector.broadcast %add3A_350 : f32 to vector<1x256xf32>
      %add3A_352 = arith.addf %add3A_351, %mul3A_349 : vector<1x256xf32>
      %slice3A_353 = vector.extract_strided_slice %slice3A_313 {offsets = [0, 512], sizes = [1, 256], strides = [1, 1]} : vector<1x768xf32> to vector<1x256xf32>
      %slice3A_354 = vector.extract_strided_slice %dot_general3A_324 {offsets = [0, 128], sizes = [1, 256], strides = [1, 1]} : vector<1x384xf32> to vector<1x256xf32>
      %add3A_355 = arith.addf %slice3A_354, %get3A_3 : vector<1x256xf32>
      %mul3A_356 = arith.mulf %add3A_337, %add3A_355 : vector<1x256xf32>
      %add3A_357 = arith.addf %slice3A_353, %mul3A_356 : vector<1x256xf32>
      %tanh3A_358 = math.tanh %add3A_357 : vector<1x256xf32>
      %sub3A_359 = arith.subf %add3A_312, %tanh3A_358 : vector<1x256xf32>
      %mul3A_360 = arith.mulf %add3A_352, %sub3A_359 : vector<1x256xf32>
      %add3A_361 = arith.addf %tanh3A_358, %mul3A_360 : vector<1x256xf32>
      %slice3A_362 = vector.extract_strided_slice %get3A_24 {offsets = [7, 0], sizes = [1, 768], strides = [1, 1]} : vector<8x768xf32> to vector<1x768xf32>
      %convert_element_type3A_363 = arith.truncf %add3A_361 : vector<1x256xf32> to vector<1x256xbf16>
      %get3A_364 = arith.constant 0 : index
      %get3A_365 = arith.constant 0 : index
      %get3A_366 = vector.load %arg2[%get3A_364, %get3A_365] : memref<256x384xbf16, #tpu.memory_space<vmem>>, vector<256x384xbf16>
      %dot_general3A_367 = arith.constant dense<0.000000e+00> : vector<1x384xf32>
      %dot_general3A_368 = tpu.matmul %convert_element_type3A_363, %get3A_366, %dot_general3A_367 {dimension_numbers = #tpu.dot_dimension_numbers<[1], [0], [0], [1], [0, 0, 1, 1], [], []>, transpose_lhs_hint = false} : vector<1x256xbf16>, vector<256x384xbf16>, vector<1x384xf32> -> vector<1x384xf32>
      %get3A_369 = arith.constant 0 : index
      %get3A_370 = arith.constant 0 : index
      %get3A_371 = vector.load %arg3[%get3A_369, %get3A_370] : memref<256x384xbf16, #tpu.memory_space<vmem>>, vector<256x384xbf16>
      %dot_general3A_372 = arith.constant dense<0.000000e+00> : vector<1x384xf32>
      %dot_general3A_373 = tpu.matmul %convert_element_type3A_363, %get3A_371, %dot_general3A_372 {dimension_numbers = #tpu.dot_dimension_numbers<[1], [0], [0], [1], [0, 0, 1, 1], [], []>, transpose_lhs_hint = false} : vector<1x256xbf16>, vector<256x384xbf16>, vector<1x384xf32> -> vector<1x384xf32>
      %slice3A_374 = vector.extract_strided_slice %slice3A_362 {offsets = [0, 0], sizes = [1, 256], strides = [1, 1]} : vector<1x768xf32> to vector<1x256xf32>
      %slice3A_375 = vector.extract_strided_slice %dot_general3A_368 {offsets = [0, 0], sizes = [1, 256], strides = [1, 1]} : vector<1x384xf32> to vector<1x256xf32>
      %add3A_376 = arith.addf %slice3A_374, %slice3A_375 : vector<1x256xf32>
      %mul3A_377 = arith.constant 5.000000e-01 : f32
      %mul3A_378 = vector.broadcast %mul3A_377 : f32 to vector<1x256xf32>
      %mul3A_379 = arith.mulf %mul3A_378, %add3A_376 : vector<1x256xf32>
      %tanh3A_380 = math.tanh %mul3A_379 : vector<1x256xf32>
      %mul3A_381 = arith.constant 5.000000e-01 : f32
      %mul3A_382 = vector.broadcast %mul3A_381 : f32 to vector<1x256xf32>
      %mul3A_383 = arith.mulf %mul3A_382, %tanh3A_380 : vector<1x256xf32>
      %add3A_384 = arith.constant 5.000000e-01 : f32
      %add3A_385 = vector.broadcast %add3A_384 : f32 to vector<1x256xf32>
      %add3A_386 = arith.addf %add3A_385, %mul3A_383 : vector<1x256xf32>
      %slice3A_387 = vector.extract_strided_slice %slice3A_362 {offsets = [0, 256], sizes = [1, 256], strides = [1, 1]} : vector<1x768xf32> to vector<1x256xf32>
      %slice3A_388 = vector.extract_strided_slice %dot_general3A_368 {offsets = [0, 256], sizes = [1, 128], strides = [1, 1]} : vector<1x384xf32> to vector<1x128xf32>
      %slice3A_389 = vector.extract_strided_slice %dot_general3A_373 {offsets = [0, 0], sizes = [1, 128], strides = [1, 1]} : vector<1x384xf32> to vector<1x128xf32>
      %concatenate3A_390 = tpu.concatenate %slice3A_388, %slice3A_389 in 1 : vector<1x128xf32>, vector<1x128xf32> -> vector<1x256xf32>
      %add3A_391 = arith.addf %slice3A_387, %concatenate3A_390 : vector<1x256xf32>
      %mul3A_392 = arith.constant 5.000000e-01 : f32
      %mul3A_393 = vector.broadcast %mul3A_392 : f32 to vector<1x256xf32>
      %mul3A_394 = arith.mulf %mul3A_393, %add3A_391 : vector<1x256xf32>
      %tanh3A_395 = math.tanh %mul3A_394 : vector<1x256xf32>
      %mul3A_396 = arith.constant 5.000000e-01 : f32
      %mul3A_397 = vector.broadcast %mul3A_396 : f32 to vector<1x256xf32>
      %mul3A_398 = arith.mulf %mul3A_397, %tanh3A_395 : vector<1x256xf32>
      %add3A_399 = arith.constant 5.000000e-01 : f32
      %add3A_400 = vector.broadcast %add3A_399 : f32 to vector<1x256xf32>
      %add3A_401 = arith.addf %add3A_400, %mul3A_398 : vector<1x256xf32>
      %slice3A_402 = vector.extract_strided_slice %slice3A_362 {offsets = [0, 512], sizes = [1, 256], strides = [1, 1]} : vector<1x768xf32> to vector<1x256xf32>
      %slice3A_403 = vector.extract_strided_slice %dot_general3A_373 {offsets = [0, 128], sizes = [1, 256], strides = [1, 1]} : vector<1x384xf32> to vector<1x256xf32>
      %add3A_404 = arith.addf %slice3A_403, %get3A_3 : vector<1x256xf32>
      %mul3A_405 = arith.mulf %add3A_386, %add3A_404 : vector<1x256xf32>
      %add3A_406 = arith.addf %slice3A_402, %mul3A_405 : vector<1x256xf32>
      %tanh3A_407 = math.tanh %add3A_406 : vector<1x256xf32>
      %sub3A_408 = arith.subf %add3A_361, %tanh3A_407 : vector<1x256xf32>
      %mul3A_409 = arith.mulf %add3A_401, %sub3A_408 : vector<1x256xf32>
      %add3A_410 = arith.addf %tanh3A_407, %mul3A_409 : vector<1x256xf32>
      scf.yield %add3A_410 : vector<1x256xf32>
    }
    %scan3A_11 = arith.constant 125 : i32
    %swap3A = arith.constant 0 : index
    %swap3A_12 = arith.constant 0 : index
    %swap3A_13 = vector.load %arg8[%swap3A, %swap3A_12] : memref<1x256xf32, #tpu.memory_space<vmem>>, vector<1x256xf32>
    tpu.vector_store %arg8[%swap3A, %swap3A_12], %scan3A_10 {strides = array<i32>} : memref<1x256xf32, #tpu.memory_space<vmem>>, vector<1x256xf32>,
    %eq3A_14 = arith.constant 9 : i32
    %eq3A_15 = arith.cmpi eq, %arg0, %eq3A_14 : i32
    %convert_element_type3A_16 = arith.extui %eq3A_15 : i1 to i32
    %cond3A_17 = arith.constant 0 : i32
    %cond3A_18 = arith.cmpi ne, %convert_element_type3A_16, %cond3A_17 : i32
    scf.if %cond3A_18 {
      %get3A_19 = arith.constant 0 : index
      %get3A_20 = arith.constant 0 : index
      %get3A_21 = vector.load %arg5[%get3A_19, %get3A_20] : memref<256x128xf32, #tpu.memory_space<vmem>>, vector<256x128xf32>
      %dot_general3A = arith.constant dense<0.000000e+00> : vector<1x128xf32>
      %dot_general3A_22 = tpu.matmul %scan3A_10, %get3A_21, %dot_general3A {dimension_numbers = #tpu.dot_dimension_numbers<[1], [0], [0], [1], [0, 0, 1, 1], [], []>, transpose_lhs_hint = false} : vector<1x256xf32>, vector<256x128xf32>, vector<1x128xf32> -> vector<1x128xf32>
      %get3A_23 = arith.constant 0 : index
      %get3A_24 = arith.constant 0 : index
      %get3A_25 = vector.load %arg6[%get3A_23, %get3A_24] : memref<1x128xf32, #tpu.memory_space<vmem>>, vector<1x128xf32>
      %add3A = arith.addf %dot_general3A_22, %get3A_25 : vector<1x128xf32>
      %swap3A_26 = arith.constant 0 : index
      %swap3A_27 = arith.constant 0 : index
      %swap3A_28 = vector.load %arg7[%swap3A_26, %swap3A_27] : memref<1x128xf32, #tpu.memory_space<vmem>>, vector<1x128xf32>
      tpu.vector_store %arg7[%swap3A_26, %swap3A_27], %add3A {strides = array<i32>} : memref<1x128xf32, #tpu.memory_space<vmem>>, vector<1x128xf32>,
    } else {
    }
    return
  }
  func.func @transform_0(%arg0: i32) -> (i32, i32) {
    %c0_i32 = arith.constant 0 : i32
    %c0_i32_0 = arith.constant 0 : i32
    return %arg0, %c0_i32 : i32, i32
  }
  func.func @transform_1(%arg0: i32) -> (i32, i32) {
    %c0_i32 = arith.constant 0 : i32
    %c0_i32_0 = arith.constant 0 : i32
    %c0_i32_1 = arith.constant 0 : i32
    return %c0_i32, %c0_i32_0 : i32, i32
  }
  func.func @transform_2(%arg0: i32) -> (i32, i32) {
    %c0_i32 = arith.constant 0 : i32
    %c0_i32_0 = arith.constant 0 : i32
    %c0_i32_1 = arith.constant 0 : i32
    return %c0_i32, %c0_i32_0 : i32, i32
  }
  func.func @transform_3(%arg0: i32) -> (i32, i32) {
    %c0_i32 = arith.constant 0 : i32
    %c0_i32_0 = arith.constant 0 : i32
    %c0_i32_1 = arith.constant 0 : i32
    return %c0_i32, %c0_i32_0 : i32, i32
  }
  func.func @transform_4(%arg0: i32) -> (i32, i32) {
    %c0_i32 = arith.constant 0 : i32
    %c0_i32_0 = arith.constant 0 : i32
    %c0_i32_1 = arith.constant 0 : i32
    return %c0_i32, %c0_i32_0 : i32, i32
  }
  func.func @transform_5(%arg0: i32) -> (i32, i32) {
    %c0_i32 = arith.constant 0 : i32
    %c0_i32_0 = arith.constant 0 : i32
    %c0_i32_1 = arith.constant 0 : i32
    return %c0_i32, %c0_i32_0 : i32, i32
  }
  func.func @transform_6(%arg0: i32) -> (i32, i32) {
    %c0_i32 = arith.constant 0 : i32
    %c0_i32_0 = arith.constant 0 : i32
    %c0_i32_1 = arith.constant 0 : i32
    return %c0_i32, %c0_i32_0 : i32, i32
  }
}

</mosaic_0001>

<sc_bundles>
// kernel: kernel.10.cloned.1.call-start
scs
__scs_entry_jumppad:
0x0: {  	(pc) =	sbr.rel $0x88, $3  }
0x1: {  	(tag) =	ssettag $0x0;
	lr =	simm.s32 $0x1  }
0x2: {  	[smem:$0x3F97] =	sst lr;
	_ =	strace $0xD0000000  }
0x3: {  	_ = 	snop  }
0x4: {  	_ = 	snop  }
0x5: {  	_ = 	snop  }
0x6: {  	_ = 	snop  }
0x7: {  	_ = 	snop  }
__scs_overlays_trampoline_lowered:
0x8: {  	[smem:$0x3FA6] =	sst s0  }
0x9: {  	[smem:$0x3FA7] =	sst s1  }
0xa: {  	[smem:$0x3FA8] =	sst s2  }
0xb: {  	[smem:$0x3FA9] =	sst s3  }
0xc: {  	[smem:$0x3FAA] =	sst s4  }
0xd: {  	[smem:$0x3FAB] =	sst s5  }
0xe: {  	[smem:$0x3FAC] =	sst s6  }
0xf: {  	[smem:$0x3FAD] =	sst s7  }
0x10: {  	[smem:$0x3FAE] =	sst s8  }
0x11: {  	[smem:$0x3FAF] =	sst s9;
	s0 =	simm.s32 @!p0 $0x0  }
0x12: {  	s1 =	sld [smem:$0x3F95];
	s0 =	simm.s32 @p0 $0x1  }
0x13: {  	[smem:$0x3FB0] =	sst s0;
	s0 =	simm.s32 @!p1 $0x0  }
0x14: {  	s2 =	sld [smem:$0x3F94];
	s0 =	simm.s32 @p1 $0x1  }
0x15: {  	[smem:$0x3FB1] =	sst s0;
	s0 =	simm.s32 @!p2 $0x0  }
0x16: {  	s3 =	sld [smem:$0x3FDB];
	s0 =	simm.s32 @p2 $0x1  }
0x17: {  	s4 =	simm.s32 $0x1BF5;
	[smem:$0x3FB3] =	sst s0  }
0x18: {  	s0 =	sld [smem:$0x3F96];
	_ =	swait.ge [sflag:s4], $0x0  }
0x19: {  	s7 =	sld [smem:$0x3F97]  }
0x1a: {  	s8 =	sadd.s32 $0xFFFFE003, lr  }
0x1b: {  	s9 =	sadd.s32 $0xFFFFFEF7, lr;
	s5 =	simm.s32 $0xFFFFFFFF;
	p2 =	slt.u32 s8, $0xFFFFF086  }
0x1c: {  	p1 =	slt.u32 s9, $0xF7A;
	s5 =	simm.s32 @!p2 $0x0  }
0x1d: {  	s5 =	simm.s32 @p1 $0x1;
	p0 =	seq.s32 s7, s2  }
0x1e: {  	s7 =	smul.u32 @!p0 $0xF7A, s2;
	p2 =	seq.s32 @!p0 s5, $0x0  }
0x1f: {  	s9 =	smul.u32 $0xF7A, s1;
	s8 =	simm.s32 @!p0 $0x1BF5;
	p2 =	por !p2, p0  }
0x20: {  	[sflag:s8] =	ssyncset.s32 @!p0 $0xFFFFF086;
	s6 =	sadd.s32 @!p0 s3, s7;
	s7 =	simm.s32 @!p0 $0x108  }
0x21: {  	s3 =	sadd.s32 s3, s9;
	s6 =	sadd.s32 @!p0 $0x88, s6;
	s7 =	simm.s32 @p2 $0x1082  }
0x22: {  	[simem:s7], [sflag:s8] =	dma.local @!p0 [hbm:s6], $0xF7A  }
0x23: {  	s9 =	sor.u32 $0xD0000000, s2;
	s6 =	simm.s32 $0x108;
	_ =	swait.ge @!p0 [sflag:s8], $0x0  }
0x24: {  	s3 =	sadd.s32 $0x88, s3;
	s6 =	simm.s32 @!p1 $0x1082;
	[sflag:s4] =	ssyncset.s32 $0xFFFFF086  }
0x25: {  	[simem:s6], [sflag:s4] =	dma.local [hbm:s3], $0xF7A  }
0x26: {  	[smem:$0x3F97] =	sst s1;
	(tag) =	ssettag s2;
	_ =	strace s9  }
0x27: {  	s1 =	sld [smem:$0x3FA7]  }
0x28: {  	s2 =	sld [smem:$0x3FA8]  }
0x29: {  	s4 =	sld [smem:$0x3FAA]  }
0x2a: {  	p0 =	seq.s32 s5, $0x0;
	s5 =	sld [smem:$0x3FAB]  }
0x2b: {  	s6 =	sld [smem:$0x3FAC]  }
0x2c: {  	s7 =	sld [smem:$0x3FAD]  }
0x2d: {  	s3 =	simm.s32 $0x108;
	s8 =	sld [smem:$0x3FAE]  }
0x2e: {  	s3 =	simm.s32 @!p0 $0x1082;
	s9 =	sld [smem:$0x3FAF]  }
0x2f: {  	lr =	sadd.s32 s0, s3;
	s0 =	sld [smem:$0x3FA6]  }
0x30: {  	s3 =	sld [smem:$0x3FA9]  }
0x31: {  	[smem:$0x3FB2] =	sst s10  }
0x32: {  	s10 =	sld [smem:$0x3FB0];
	_ =	sdelay $0x3  }
0x33: {  	p0 =	seq.s32 s10, $0x1;
	s10 =	sld [smem:$0x3FB2];
	_ =	sdelay $0x3  }
0x34: {  	[smem:$0x3FB2] =	sst s10  }
0x35: {  	s10 =	sld [smem:$0x3FB1];
	_ =	sdelay $0x3  }
0x36: {  	p1 =	seq.s32 s10, $0x1;
	s10 =	sld [smem:$0x3FB2];
	_ =	sdelay $0x3  }
0x37: {  	[smem:$0x3FB2] =	sst s10  }
0x38: {  	s10 =	sld [smem:$0x3FB3]  }
0x39: {  	_ = 	snop;
	(pc) =	sbr.ind lr, $3  }
0x3a: {  	_ = 	snop  }
0x3b: {  	_ = 	snop  }
0x3c: {  	p2 =	seq.s32 s10, $0x1;
	s10 =	sld [smem:$0x3FB2]  }
0x3d: {  	_ =	shalt  }
0x3e: {  	_ =	shalt  }
0x3f: {  	_ =	shalt  }
0x40: {  	_ =	shalt  }
0x41: {  	_ =	shalt  }
0x42: {  	_ =	shalt  }
0x43: {  	_ =	shalt  }
0x44: {  	_ =	shalt  }
0x45: {  	_ =	shalt  }
0x46: {  	_ =	shalt  }
0x47: {  	_ =	shalt  }
0x48: {  	_ =	shalt  }
0x49: {  	_ =	shalt  }
0x4a: {  	_ =	shalt  }
0x4b: {  	_ =	shalt  }
0x4c: {  	_ =	shalt  }
0x4d: {  	_ =	shalt  }
0x4e: {  	_ =	shalt  }
0x4f: {  	_ =	shalt  }
0x50: {  	_ =	shalt  }
0x51: {  	_ =	shalt  }
0x52: {  	_ =	shalt  }
0x53: {  	_ =	shalt  }
0x54: {  	_ =	shalt  }
0x55: {  	_ =	shalt  }
0x56: {  	_ =	shalt  }
0x57: {  	_ =	shalt  }
0x58: {  	_ =	shalt  }
0x59: {  	_ =	shalt  }
0x5a: {  	_ =	shalt  }
0x5b: {  	_ =	shalt  }
0x5c: {  	_ =	shalt  }
0x5d: {  	_ =	shalt  }
0x5e: {  	_ =	shalt  }
0x5f: {  	_ =	shalt  }
0x60: {  	_ =	shalt  }
0x61: {  	_ =	shalt  }
0x62: {  	_ =	shalt  }
0x63: {  	_ =	shalt  }
0x64: {  	_ =	shalt  }
0x65: {  	_ =	shalt  }
0x66: {  	_ =	shalt  }
0x67: {  	_ =	shalt  }
0x68: {  	_ =	shalt  }
0x69: {  	_ =	shalt  }
0x6a: {  	_ =	shalt  }
0x6b: {  	_ =	shalt  }
0x6c: {  	_ =	shalt  }
0x6d: {  	_ =	shalt  }
0x6e: {  	_ =	shalt  }
0x6f: {  	_ =	shalt  }
0x70: {  	_ =	shalt  }
0x71: {  	_ =	shalt  }
0x72: {  	_ =	shalt  }
0x73: {  	_ =	shalt  }
0x74: {  	_ =	shalt  }
0x75: {  	_ =	shalt  }
0x76: {  	_ =	shalt  }
0x77: {  	_ =	shalt  }
0x78: {  	_ =	shalt  }
0x79: {  	_ =	shalt  }
0x7a: {  	_ =	shalt  }
0x7b: {  	_ =	shalt  }
0x7c: {  	_ =	shalt  }
0x7d: {  	_ =	shalt  }
0x7e: {  	_ =	shalt  }
0x7f: {  	_ =	shalt  }
0x80: {  	_ =	shalt  }
0x81: {  	_ =	shalt  }
0x82: {  	_ =	shalt  }
0x83: {  	_ =	shalt  }
0x84: {  	_ =	shalt  }
0x85: {  	_ =	shalt  }
0x86: {  	_ =	shalt  }
0x87: {  	_ =	shalt  }
.Lfunc_end0:
.L_simem_size_0:
called_computation.1_lowered:
.L_overlay_start_0:
0x88: {  	s2 =	sld [smem:$0x3FD9]  }
0x89: {  	s3 =	sld [smem:$0x3FFE];
	_ =	sdelay $0x1  }
0x8a: {  	s1 =	srdreg.scid  }
0x8b: {  	s0 =	sand.u32 $0x1, s1  }
0x8c: {  	s16 =	sshll.u32 s0, $0xA;
	s2 =	sadd.s32 s3, s2  }
0x8d: {  	s2 =	sadd.s32 s2, s16  }
0x8e: {  	[smem:$0x3FBE] =	sst s2  }
0x8f: {  	_ = 	snop  }
0x90: {  	(tm) =	ssettm $0x1  }
0x91: {  	s17 =	sld [smem:$0x3FFB];
	_ =	sdelay $0x3  }
0x92: {  	_ =	strace s17  }
0x93: {  	s2 =	sld [smem:$0x3FFC];
	_ =	sdelay $0x3  }
0x94: {  	_ =	strace s2  }
0x95: {  	s2 =	sld [smem:$0x3FFD];
	_ =	sdelay $0x3  }
0x96: {  	_ =	strace s2  }
0x97: {  	_ =	strace $0x8FFFFFFF  }
0x98: {  	s18 =	sld [smem:$0x3FDB];
	_ =	sdelay $0x1  }
0x99: {  	s19 =	simm.s32 $_scs_section_size  }
0x9a: {  	s4 =	simm.s32 $_size__tile_overlayer_lowered;
	s5 =	simm.s32 $_tile_overlayer_lowered  }
0x9b: {  	s22 =	simm.s32 $0x1BFF;
	s21 =	sshll.u32 s5, $0x1;
	s2 =	sadd.s32 s19, s18  }
0x9c: {  	s6 =	simm.s32 $0x0;
	s20 =	sshll.u32 s4, $0x1;
	s4 =	sadd.s32 s21, s2  }
0x9d: {  	[timem:s6], [sflag:s22] =	dma.local [hbm:s4], s20  }
0x9e: {  	_ =	swait.ge [sflag:s22], s20  }
0x9f: {  	s3 =	ssub.s32 $0x0, s20;
	[sflag:s22] =	ssyncset.done $0x0  }
0xa0: {  	[sflag:s22] =	ssyncadd.s32 s3;
	_ =	sdelay $0x1  }
0xa1: {  	s23 =	simm.s32 $0x1B8B  }
0xa2: {  	_ =	swait.ge [sflag:s23], $0x1  }
0xa3: {  	[sflag:s23] =	ssyncset.done $0x0  }
0xa4: {  	s25 =	simm.s32 $0x1B8E;
	s24 =	sld [smem:$0x3FFE];
	[sflag:s23] =	ssyncadd.s32 $0xFFFFFFFF  }
0xa5: {  	s26 =	simm.s32 $execute0_lowered;
	[smem:$0x3FD2] =	sst s25  }
0xa6: {  	s4 =	sshll.u32 s26, $0x1;
	_ =	strace $0x80000049;
	[dreg:$0x1] =	wrdreg $0xFFFFFFFF  }
0xa7: {  	s28 =	simm.s32 $_size_execute0_lowered;
	s2 =	sadd.s32 s2, s4;
	[dreg:$0x0] =	wrdreg $0x0  }
0xa8: {  	s4 =	sshll.u32 s28, $0x1;
	[dreg:$0x2] =	wrdreg s2  }
0xa9: {  	[dreg:$0x3] =	wrdreg s4  }
0xaa: {  	[dreg:$0x4] =	wrdreg $0xC0  }
0xab: {  	_ =	task [dreg:s6], $0x5FFFF  }
0xac: {  	[dreg:$0x1] =	wrdreg $0xFFFFFFFF  }
0xad: {  	[dreg:$0x0] =	wrdreg $0x60  }
0xae: {  	[dreg:$0x2] =	wrdreg s24  }
0xaf: {  	[dreg:$0x3] =	wrdreg $0x90000  }
0xb0: {  	[dreg:$0x4] =	wrdreg $0x9  }
0xb1: {  	_ =	task.clear_ibuf [dreg:s6], $0x5FFFF;
	_ =	strace $0x90000049  }
0xb2: {  	s29 =	simm.s32 $0x9;
	_ =	strace $0x8000004B  }
0xb3: {  	_ =	swait.ge [sflag:s29], $0x1  }
0xb4: {  	[sflag:s29] =	ssyncadd.s32 $0xFFFFFFFF  }
0xb5: {  	_ =	strace $0x9000004B  }
0xb6: {  	_ =	sfence  }
0xb7: {  	s30 =	sld [smem:$0x0];
	_ =	sdelay $0x2  }
0xb8: {  	s31 =	sshll.u32 s1, $0xD;
	s1 =	sshrl.u32 s1, $0x2  }
0xb9: {  	s3 =	sand.u32 $0x4000, s31;
	s1 =	sadd.s32 s1, s30  }
0xba: {  	s0 =	sor.u32 s3, s0;
	s1 =	sshll.u32 s1, $0x11  }
0xbb: {  	s0 =	sor.u32 s1, s0  }
0xbc: {  	s0 =	sadd.s32 $0x8F2B, s0  }
0xbd: {  	[sflag:s0] =	ssyncadd.remote.s32 $0x1  }
0xbe: {  	_ =	sfence.sel $0xFFFF  }
0xbf: {  	[dreg:$0x0] =	wrdreg $0xFFFFFFFF;
	(pc) =	sbr.abs _section_cstart, $3  }
0xc0: {  	[dreg:$0x1] =	wrdreg $0xFFFFFFFF  }
0xc1: {  	_ =	task.clear_ibuf [dreg:s6], $0x2FFFF;
	_ =	strace $0x9FFFFFFF  }
0xc2: {  	(tm) =	ssettm $0x7FFFFFFF  }
0xc3: {  	_ =	shalt  }
tec
execute0_lowered:
.L_overlay_start_1:
0x0: {  	(tag) =	ssettag $0x1  }
0x1: {  	s7 =	rddreg [dreg:$0x0]  }
0x2: {  	s0 =	srdreg.scid;
	s2 =	rddreg [dreg:$0x1];
	s3 =	simm.s32 $0x0  }
0x3: {  	s14 =	simm.s32 $0x80;
	s6 =	sand.u32 $0x1, s0;
	s0 =	stileid.u32  }
0x4: {  	s15 =	simm.s32 $0x5000;
	s16 =	simm.s32 $0x1;
	s8 =	smul.u32 $0x500, s0  }
0x5: {  	s17 =	simm.s32 $0x0;
	[smem:$0x7FF] =	sst s3;
	s9 =	smul.u32 $0x2800, s0  }
0x6: {  	s4 =	sadd.s32 $0x64200, s7;
	s1 =	sshll.u32 s6, $0x4;
	s10 =	smul.u32 $0x28000, s6  }
0x7: {  	s12 =	smul.u32 $0x50000, s0;
	s6 =	ssub.s32 $0x2, s6;
	s1 =	sor.u32 s0, s1  }
0x8: {  	s31 =	sshll.u32 s0, $0x6;
	s28 =	sshrl.u32 s6, $0x1;
	s5 =	smul.u32 $0x500, s1  }
0x9: {  	s1 =	rddreg [dreg:$0x2];
	_ =	strace $0x8000004A;
	s8 =	sadd.s32 s8, s7  }
0xa: {  	s9 =	sadd.s32 s9, s10;
	s29 =	sshrl.u32 s12, $0x2;
	s30 =	ssub.s32 s6, s28  }
0xb: {  	s6 =	sor.u32 $0x1C02, s31;
	s12 =	simm.s32 $0x2;
	s9 =	sadd.s32 s9, s7  }
0xc: {  	s13 =	sadd.s32 s29, s2;
	s8 =	sadd.s32 $0x2200, s8;
	s10 =	smax.u32 s30, $0x1  }
0xd: {  	s11 =	sadd.s32 s5, s7;
	s5 =	sadd.s32 $0x7200, s7;
	s9 =	sadd.s32 $0xB4200, s9  }
0xe: {  	s7 =	sadd.s32 $0x5A200, s11;
	s11 =	sshrl.u32 s13, $0x3;
	s13 =	simm.s32 $0x2800  }
.LBB2_1:
0xf: {  	[spmem:s11], [sflag:s6] =	dma.local [hbm:s5], $0x2800  }
0x10: {  	_ =	swait.ge [sflag:s12], $0x2800  }
0x11: {  	[sflag:s12] =	ssyncset.done $0x0  }
0x12: {  	[sflag:s12] =	ssyncadd.s32 $0xFFFFD800  }
0x13: {  	[tilespmem:s3], [sflag:$0x2] =	stream.linear.gather [hbm4b:s7+s3], $0x2800, $0x38;
	[tilespmem:$0x1D000] =	vst v63  }
0x14: {  	_ =	swait.ge [sflag:s12], $0x2800  }
0x15: {  	[sflag:s12] =	ssyncset.done $0x0  }
0x16: {  	[sflag:s12] =	ssyncadd.s32 $0xFFFFD800  }
0x17: {  	[tilespmem:s13], [sflag:$0x2] =	stream.linear.gather [hbm4b:s8+s3], $0x2800, $0x38;
	[tilespmem:$0x1D000] =	vst v63  }
0x18: {  	_ =	swait.ge [sflag:s12], $0x2800  }
0x19: {  	[sflag:s12] =	ssyncset.done $0x0  }
0x1a: {  	[sflag:s12] =	ssyncadd.s32 $0xFFFFD800  }
0x1b: {  	s18 =	simm.s32 $0x0;
	[bflag:$0x0] =	sbarrier.arrive $0xFFFF  }
0x1c: {  	[tilespmem:s15], [sflag:$0x1] =	stream.indirect.gather [hbm4b:s4+s14], $0x80, s18, s14, $0xb8;
	[tilespmem:$0x1D000] =	vst v63  }
0x1d: {  	_ =	swait.ge [sflag:s16], $0x4000  }
0x1e: {  	[sflag:s16] =	ssyncset.done $0x0  }
0x1f: {  	s31 =	simm.s32 $0x2800;
	[sflag:s16] =	ssyncadd.s32 $0xFFFFC000  }
0x20: {  	[spmem:s2] =	stream.indirect.scatter.add.f32 [tilespmem:s15], [sflag:$0x2], $0x80, s31, s14, $0xb8;
	[tilespmem:$0x1D000] =	vst v63  }
0x21: {  	_ =	swait.ge [sflag:s12], $0x4000  }
0x22: {  	s19 =	simm.s32 $0x400;
	s18 =	simm.s32 $0x200;
	[sflag:s12] =	ssyncset.done $0x0  }
.LBB2_2:
0x23: {  	s20 =	sshra.s32 s18, $0x2  }
0x24: {  	[sflag:s12] =	ssyncadd.s32 $0xFFFFC000;
	s18 =	smov.u32 s19;
	s21 =	sadd.s32 $0x200, s19  }
0x25: {  	[tilespmem:s15], [sflag:$0x1] =	stream.indirect.gather [hbm4b:s4+s14], $0x80, s20, s14, $0xb8;
	[tilespmem:$0x1D000] =	vst v63  }
0x26: {  	p0 =	sne.s32 s19, $0x9E00;
	_ =	swait.ge [sflag:s16], $0x4000  }
.Ltmp0:
0x27: {  	[sflag:s16] =	ssyncset.done $0x0;
	(pc) =	sbr.rel @p0 .LBB2_2-.Ltmp0, $4  }
0x28: {  	s19 =	sadd.s32 $0x2800, s20;
	[sflag:s16] =	ssyncadd.s32 $0xFFFFC000  }
0x29: {  	[spmem:s2] =	stream.indirect.scatter.add.f32 [tilespmem:s15], [sflag:$0x2], $0x80, s19, s14, $0xb8;
	[tilespmem:$0x1D000] =	vst v63  }
0x2a: {  	_ =	swait.ge [sflag:s12], $0x4000  }
0x2b: {  	s19 =	smov.u32 s21;
	[sflag:s12] =	ssyncset.done $0x0  }
0x2c: {  	s18 =	sshra.s32 s18, $0x2;
	[sflag:s12] =	ssyncadd.s32 $0xFFFFC000  }
0x2d: {  	[tilespmem:s15], [sflag:$0x1] =	stream.indirect.gather [hbm4b:s4+s14], $0x80, s18, s14, $0xb8;
	[tilespmem:$0x1D000] =	vst v63  }
0x2e: {  	_ =	swait.ge [sflag:s16], $0x4000  }
0x2f: {  	[sflag:s16] =	ssyncset.done $0x0  }
0x30: {  	s18 =	sadd.s32 $0x2800, s18;
	[sflag:s16] =	ssyncadd.s32 $0xFFFFC000  }
0x31: {  	[spmem:s2] =	stream.indirect.scatter.add.f32 [tilespmem:s15], [sflag:$0x2], $0x80, s18, s14, $0xb8;
	[tilespmem:$0x1D000] =	vst v63  }
0x32: {  	_ =	swait.ge [sflag:s12], $0x4000  }
0x33: {  	s17 =	sadd.s32 $0x1, s17;
	[sflag:s12] =	ssyncset.done $0x0  }
0x34: {  	p0 =	sne.s32 s17, s10;
	[sflag:s12] =	ssyncadd.s32 $0xFFFFC000  }
.Ltmp1:
0x35: {  	[bflag:$0x0] =	sbarrier.arrive $0xFFFF;
	(pc) =	sbr.rel @p0 .LBB2_1-.Ltmp1, $4  }
0x36: {  	[hbm:s9], [sflag:s6] =	dma.local [spmem:s11], $0x2800  }
0x37: {  	_ =	swait.ge [sflag:s12], $0x2800  }
0x38: {  	[sflag:s12] =	ssyncset.done $0x0  }
0x39: {  	[sflag:s12] =	ssyncadd.s32 $0xFFFFD800  }
0x3a: {  	_ =	sfence.sel $0x180000  }
0x3b: {  	[bflag:$0x0] =	sbarrier.arrive $0xFFFF  }
0x3c: {  	p0 =	sne.s32 s0, $0x0;
	_ =	strace $0x9000004A  }
0x3d: {  	s0 =	sadd.s32 @!p0 $0x100000, s1;
	[bflag:$0x2] =	sbarrier.arrive $0xFFFF  }
0x3e: {  	[sflag:s0] =	ssyncadd.tile.s32 @!p0 $0x1;
	_ =	shalt  }
.Lfunc_end2:
_tile_overlayer_lowered:
.L_overlay_start_2:
0x3f: {  	(tag) =	ssettag $0x2  }
0x40: {  	s0 =	rddreg [dreg:$0x0];
	s2 =	stileid.u32  }
0x41: {  	s1 =	rddreg [dreg:$0x1];
	p0 =	sne.s32 s2, $0x0  }
0x42: {  	s3 =	rddreg [dreg:$0x2];
	[bflag:$0x3] =	sbarrier.arrive $0xFFFF;
	s2 =	simm.s32 @!p0 $0x1C02  }
0x43: {  	[timem:s3], [sflag:s2] =	dma.local @!p0 [hbm:s0], s1  }
0x44: {  	s0 =	simm.s32 @!p0 $0x2  }
0x45: {  	_ =	swait.ge @!p0 [sflag:s0], s1  }
0x46: {  	s1 =	ssub.s32 @!p0 $0x0, s1;
	[sflag:s0] =	ssyncset.done @!p0 $0x0  }
0x47: {  	[sflag:s0] =	ssyncadd.s32 @!p0 s1  }
0x48: {  	[bflag:$0x3] =	sbarrier.arrive $0xFFFF  }
0x49: {  	_ =	shalt  }

// kernel: kernel.7.cloned.1.call-start
scs
__scs_entry_jumppad:
0x0: {  	(pc) =	sbr.rel $0x88, $3  }
0x1: {  	(tag) =	ssettag $0x0;
	lr =	simm.s32 $0x1  }
0x2: {  	[smem:$0x3F97] =	sst lr;
	_ =	strace $0xD0000000  }
0x3: {  	_ = 	snop  }
0x4: {  	_ = 	snop  }
0x5: {  	_ = 	snop  }
0x6: {  	_ = 	snop  }
0x7: {  	_ = 	snop  }
__scs_overlays_trampoline_lowered:
0x8: {  	[smem:$0x3FA6] =	sst s0  }
0x9: {  	[smem:$0x3FA7] =	sst s1  }
0xa: {  	[smem:$0x3FA8] =	sst s2  }
0xb: {  	[smem:$0x3FA9] =	sst s3  }
0xc: {  	[smem:$0x3FAA] =	sst s4  }
0xd: {  	[smem:$0x3FAB] =	sst s5  }
0xe: {  	[smem:$0x3FAC] =	sst s6  }
0xf: {  	[smem:$0x3FAD] =	sst s7  }
0x10: {  	[smem:$0x3FAE] =	sst s8  }
0x11: {  	[smem:$0x3FAF] =	sst s9;
	s0 =	simm.s32 @!p0 $0x0  }
0x12: {  	s1 =	sld [smem:$0x3F95];
	s0 =	simm.s32 @p0 $0x1  }
0x13: {  	[smem:$0x3FB0] =	sst s0;
	s0 =	simm.s32 @!p1 $0x0  }
0x14: {  	s2 =	sld [smem:$0x3F94];
	s0 =	simm.s32 @p1 $0x1  }
0x15: {  	[smem:$0x3FB1] =	sst s0;
	s0 =	simm.s32 @!p2 $0x0  }
0x16: {  	s3 =	sld [smem:$0x3FDB];
	s0 =	simm.s32 @p2 $0x1  }
0x17: {  	s4 =	simm.s32 $0x1BF5;
	[smem:$0x3FB3] =	sst s0  }
0x18: {  	s0 =	sld [smem:$0x3F96];
	_ =	swait.ge [sflag:s4], $0x0  }
0x19: {  	s7 =	sld [smem:$0x3F97]  }
0x1a: {  	s8 =	sadd.s32 $0xFFFFE003, lr  }
0x1b: {  	s9 =	sadd.s32 $0xFFFFFEF7, lr;
	s5 =	simm.s32 $0xFFFFFFFF;
	p2 =	slt.u32 s8, $0xFFFFF086  }
0x1c: {  	p1 =	slt.u32 s9, $0xF7A;
	s5 =	simm.s32 @!p2 $0x0  }
0x1d: {  	s5 =	simm.s32 @p1 $0x1;
	p0 =	seq.s32 s7, s2  }
0x1e: {  	s7 =	smul.u32 @!p0 $0xF7A, s2;
	p2 =	seq.s32 @!p0 s5, $0x0  }
0x1f: {  	s9 =	smul.u32 $0xF7A, s1;
	s8 =	simm.s32 @!p0 $0x1BF5;
	p2 =	por !p2, p0  }
0x20: {  	[sflag:s8] =	ssyncset.s32 @!p0 $0xFFFFF086;
	s6 =	sadd.s32 @!p0 s3, s7;
	s7 =	simm.s32 @!p0 $0x108  }
0x21: {  	s3 =	sadd.s32 s3, s9;
	s6 =	sadd.s32 @!p0 $0x88, s6;
	s7 =	simm.s32 @p2 $0x1082  }
0x22: {  	[simem:s7], [sflag:s8] =	dma.local @!p0 [hbm:s6], $0xF7A  }
0x23: {  	s9 =	sor.u32 $0xD0000000, s2;
	s6 =	simm.s32 $0x108;
	_ =	swait.ge @!p0 [sflag:s8], $0x0  }
0x24: {  	s3 =	sadd.s32 $0x88, s3;
	s6 =	simm.s32 @!p1 $0x1082;
	[sflag:s4] =	ssyncset.s32 $0xFFFFF086  }
0x25: {  	[simem:s6], [sflag:s4] =	dma.local [hbm:s3], $0xF7A  }
0x26: {  	[smem:$0x3F97] =	sst s1;
	(tag) =	ssettag s2;
	_ =	strace s9  }
0x27: {  	s1 =	sld [smem:$0x3FA7]  }
0x28: {  	s2 =	sld [smem:$0x3FA8]  }
0x29: {  	s4 =	sld [smem:$0x3FAA]  }
0x2a: {  	p0 =	seq.s32 s5, $0x0;
	s5 =	sld [smem:$0x3FAB]  }
0x2b: {  	s6 =	sld [smem:$0x3FAC]  }
0x2c: {  	s7 =	sld [smem:$0x3FAD]  }
0x2d: {  	s3 =	simm.s32 $0x108;
	s8 =	sld [smem:$0x3FAE]  }
0x2e: {  	s3 =	simm.s32 @!p0 $0x1082;
	s9 =	sld [smem:$0x3FAF]  }
0x2f: {  	lr =	sadd.s32 s0, s3;
	s0 =	sld [smem:$0x3FA6]  }
0x30: {  	s3 =	sld [smem:$0x3FA9]  }
0x31: {  	[smem:$0x3FB2] =	sst s10  }
0x32: {  	s10 =	sld [smem:$0x3FB0];
	_ =	sdelay $0x3  }
0x33: {  	p0 =	seq.s32 s10, $0x1;
	s10 =	sld [smem:$0x3FB2];
	_ =	sdelay $0x3  }
0x34: {  	[smem:$0x3FB2] =	sst s10  }
0x35: {  	s10 =	sld [smem:$0x3FB1];
	_ =	sdelay $0x3  }
0x36: {  	p1 =	seq.s32 s10, $0x1;
	s10 =	sld [smem:$0x3FB2];
	_ =	sdelay $0x3  }
0x37: {  	[smem:$0x3FB2] =	sst s10  }
0x38: {  	s10 =	sld [smem:$0x3FB3]  }
0x39: {  	_ = 	snop;
	(pc) =	sbr.ind lr, $3  }
0x3a: {  	_ = 	snop  }
0x3b: {  	_ = 	snop  }
0x3c: {  	p2 =	seq.s32 s10, $0x1;
	s10 =	sld [smem:$0x3FB2]  }
0x3d: {  	_ =	shalt  }
0x3e: {  	_ =	shalt  }
0x3f: {  	_ =	shalt  }
0x40: {  	_ =	shalt  }
0x41: {  	_ =	shalt  }
0x42: {  	_ =	shalt  }
0x43: {  	_ =	shalt  }
0x44: {  	_ =	shalt  }
0x45: {  	_ =	shalt  }
0x46: {  	_ =	shalt  }
0x47: {  	_ =	shalt  }
0x48: {  	_ =	shalt  }
0x49: {  	_ =	shalt  }
0x4a: {  	_ =	shalt  }
0x4b: {  	_ =	shalt  }
0x4c: {  	_ =	shalt  }
0x4d: {  	_ =	shalt  }
0x4e: {  	_ =	shalt  }
0x4f: {  	_ =	shalt  }
0x50: {  	_ =	shalt  }
0x51: {  	_ =	shalt  }
0x52: {  	_ =	shalt  }
0x53: {  	_ =	shalt  }
0x54: {  	_ =	shalt  }
0x55: {  	_ =	shalt  }
0x56: {  	_ =	shalt  }
0x57: {  	_ =	shalt  }
0x58: {  	_ =	shalt  }
0x59: {  	_ =	shalt  }
0x5a: {  	_ =	shalt  }
0x5b: {  	_ =	shalt  }
0x5c: {  	_ =	shalt  }
0x5d: {  	_ =	shalt  }
0x5e: {  	_ =	shalt  }
0x5f: {  	_ =	shalt  }
0x60: {  	_ =	shalt  }
0x61: {  	_ =	shalt  }
0x62: {  	_ =	shalt  }
0x63: {  	_ =	shalt  }
0x64: {  	_ =	shalt  }
0x65: {  	_ =	shalt  }
0x66: {  	_ =	shalt  }
0x67: {  	_ =	shalt  }
0x68: {  	_ =	shalt  }
0x69: {  	_ =	shalt  }
0x6a: {  	_ =	shalt  }
0x6b: {  	_ =	shalt  }
0x6c: {  	_ =	shalt  }
0x6d: {  	_ =	shalt  }
0x6e: {  	_ =	shalt  }
0x6f: {  	_ =	shalt  }
0x70: {  	_ =	shalt  }
0x71: {  	_ =	shalt  }
0x72: {  	_ =	shalt  }
0x73: {  	_ =	shalt  }
0x74: {  	_ =	shalt  }
0x75: {  	_ =	shalt  }
0x76: {  	_ =	shalt  }
0x77: {  	_ =	shalt  }
0x78: {  	_ =	shalt  }
0x79: {  	_ =	shalt  }
0x7a: {  	_ =	shalt  }
0x7b: {  	_ =	shalt  }
0x7c: {  	_ =	shalt  }
0x7d: {  	_ =	shalt  }
0x7e: {  	_ =	shalt  }
0x7f: {  	_ =	shalt  }
0x80: {  	_ =	shalt  }
0x81: {  	_ =	shalt  }
0x82: {  	_ =	shalt  }
0x83: {  	_ =	shalt  }
0x84: {  	_ =	shalt  }
0x85: {  	_ =	shalt  }
0x86: {  	_ =	shalt  }
0x87: {  	_ =	shalt  }
.Lfunc_end0:
.L_simem_size_0:
called_computation_lowered:
.L_overlay_start_0:
0x88: {  	s2 =	sld [smem:$0x3FD9]  }
0x89: {  	s3 =	sld [smem:$0x3FFE];
	_ =	sdelay $0x1  }
0x8a: {  	s1 =	srdreg.scid  }
0x8b: {  	s0 =	sand.u32 $0x1, s1  }
0x8c: {  	s16 =	sshll.u32 s0, $0xA;
	s2 =	sadd.s32 s3, s2  }
0x8d: {  	s2 =	sadd.s32 s2, s16  }
0x8e: {  	[smem:$0x3FBE] =	sst s2  }
0x8f: {  	_ = 	snop  }
0x90: {  	(tm) =	ssettm $0x1  }
0x91: {  	s17 =	sld [smem:$0x3FFB];
	_ =	sdelay $0x3  }
0x92: {  	_ =	strace s17  }
0x93: {  	s2 =	sld [smem:$0x3FFC];
	_ =	sdelay $0x3  }
0x94: {  	_ =	strace s2  }
0x95: {  	s2 =	sld [smem:$0x3FFD];
	_ =	sdelay $0x3  }
0x96: {  	_ =	strace s2  }
0x97: {  	_ =	strace $0x8FFFFFFF  }
0x98: {  	s18 =	sld [smem:$0x3FDB];
	_ =	sdelay $0x1  }
0x99: {  	s19 =	simm.s32 $_scs_section_size  }
0x9a: {  	s4 =	simm.s32 $_size__tile_overlayer_lowered;
	s5 =	simm.s32 $_tile_overlayer_lowered  }
0x9b: {  	s22 =	simm.s32 $0x1BFF;
	s21 =	sshll.u32 s5, $0x1;
	s2 =	sadd.s32 s19, s18  }
0x9c: {  	s6 =	simm.s32 $0x0;
	s20 =	sshll.u32 s4, $0x1;
	s4 =	sadd.s32 s21, s2  }
0x9d: {  	[timem:s6], [sflag:s22] =	dma.local [hbm:s4], s20  }
0x9e: {  	_ =	swait.ge [sflag:s22], s20  }
0x9f: {  	s3 =	ssub.s32 $0x0, s20;
	[sflag:s22] =	ssyncset.done $0x0  }
0xa0: {  	[sflag:s22] =	ssyncadd.s32 s3;
	_ =	sdelay $0x1  }
0xa1: {  	s23 =	simm.s32 $0x1B8B  }
0xa2: {  	_ =	swait.ge [sflag:s23], $0x1  }
0xa3: {  	[sflag:s23] =	ssyncset.done $0x0  }
0xa4: {  	s25 =	simm.s32 $0x1B8E;
	s24 =	sld [smem:$0x3FFE];
	[sflag:s23] =	ssyncadd.s32 $0xFFFFFFFF  }
0xa5: {  	s26 =	simm.s32 $execute0_lowered;
	[smem:$0x3FD2] =	sst s25  }
0xa6: {  	s4 =	sshll.u32 s26, $0x1;
	_ =	strace $0x80000046;
	[dreg:$0x1] =	wrdreg $0xFFFFFFFF  }
0xa7: {  	s28 =	simm.s32 $_size_execute0_lowered;
	s2 =	sadd.s32 s2, s4;
	[dreg:$0x0] =	wrdreg $0x0  }
0xa8: {  	s4 =	sshll.u32 s28, $0x1;
	[dreg:$0x2] =	wrdreg s2  }
0xa9: {  	[dreg:$0x3] =	wrdreg s4  }
0xaa: {  	[dreg:$0x4] =	wrdreg $0xC0  }
0xab: {  	_ =	task [dreg:s6], $0x5FFFF  }
0xac: {  	[dreg:$0x1] =	wrdreg $0xFFFFFFFF  }
0xad: {  	[dreg:$0x0] =	wrdreg $0x60  }
0xae: {  	[dreg:$0x2] =	wrdreg s24  }
0xaf: {  	[dreg:$0x3] =	wrdreg $0x54000  }
0xb0: {  	[dreg:$0x4] =	wrdreg $0x9  }
0xb1: {  	_ =	task.clear_ibuf [dreg:s6], $0x5FFFF;
	_ =	strace $0x90000046  }
0xb2: {  	s29 =	simm.s32 $0x9;
	_ =	strace $0x80000048  }
0xb3: {  	_ =	swait.ge [sflag:s29], $0x1  }
0xb4: {  	[sflag:s29] =	ssyncadd.s32 $0xFFFFFFFF  }
0xb5: {  	_ =	strace $0x90000048  }
0xb6: {  	_ =	sfence  }
0xb7: {  	s30 =	sld [smem:$0x0];
	_ =	sdelay $0x2  }
0xb8: {  	s31 =	sshll.u32 s1, $0xD;
	s1 =	sshrl.u32 s1, $0x2  }
0xb9: {  	s3 =	sand.u32 $0x4000, s31;
	s1 =	sadd.s32 s1, s30  }
0xba: {  	s0 =	sor.u32 s3, s0;
	s1 =	sshll.u32 s1, $0x11  }
0xbb: {  	s0 =	sor.u32 s1, s0  }
0xbc: {  	s0 =	sadd.s32 $0x8F2B, s0  }
0xbd: {  	[sflag:s0] =	ssyncadd.remote.s32 $0x1  }
0xbe: {  	_ =	sfence.sel $0xFFFF  }
0xbf: {  	[dreg:$0x0] =	wrdreg $0xFFFFFFFF;
	(pc) =	sbr.abs _section_cstart, $3  }
0xc0: {  	[dreg:$0x1] =	wrdreg $0xFFFFFFFF  }
0xc1: {  	_ =	task.clear_ibuf [dreg:s6], $0x2FFFF;
	_ =	strace $0x9FFFFFFF  }
0xc2: {  	(tm) =	ssettm $0x7FFFFFFF  }
0xc3: {  	_ =	shalt  }
tec
execute0_lowered:
.L_overlay_start_1:
0x0: {  	(tag) =	ssettag $0x1  }
0x1: {  	s0 =	srdreg.scid;
	s7 =	rddreg [dreg:$0x0]  }
0x2: {  	s2 =	rddreg [dreg:$0x1];
	s6 =	sand.u32 $0x1, s0;
	s0 =	stileid.u32  }
0x3: {  	s3 =	simm.s32 $0x0;
	s13 =	simm.s32 $0x80;
	s8 =	smul.u32 $0x2800, s0  }
0x4: {  	s14 =	simm.s32 $0x0;
	[smem:$0x7FF] =	sst s3;
	s9 =	smul.u32 $0x28000, s6  }
0x5: {  	s5 =	sadd.s32 $0x7200, s7;
	s1 =	sshll.u32 s6, $0x4;
	s11 =	smul.u32 $0x50000, s0  }
0x6: {  	s6 =	ssub.s32 $0x2, s6;
	s31 =	sshll.u32 s0, $0x6;
	s4 =	sor.u32 s0, s1  }
0x7: {  	s1 =	rddreg [dreg:$0x2];
	_ =	strace $0x80000047;
	s28 =	sshrl.u32 s6, $0x1  }
0x8: {  	s4 =	smul.u32 $0x280, s4;
	s8 =	sadd.s32 s8, s9;
	s29 =	sshrl.u32 s11, $0x2  }
0x9: {  	s30 =	ssub.s32 s6, s28;
	s6 =	sor.u32 $0x1C01, s31;
	s11 =	simm.s32 $0x1  }
0xa: {  	s8 =	sadd.s32 s8, s7;
	s12 =	sadd.s32 s29, s2;
	s9 =	smax.u32 s30, $0x1  }
0xb: {  	s10 =	sadd.s32 s4, s7;
	s4 =	sadd.s32 $0x9A00, s7;
	s8 =	sadd.s32 $0xA200, s8  }
0xc: {  	s7 =	sadd.s32 $0x2200, s10;
	s10 =	sshrl.u32 s12, $0x3;
	s12 =	simm.s32 $0x1400  }
.LBB2_1:
0xd: {  	[spmem:s10], [sflag:s6] =	dma.local [hbm:s5], $0x2800  }
0xe: {  	_ =	swait.ge [sflag:s11], $0x2800  }
0xf: {  	[sflag:s11] =	ssyncset.done $0x0  }
0x10: {  	[sflag:s11] =	ssyncadd.s32 $0xFFFFD800  }
0x11: {  	[tilespmem:s12], [sflag:$0x1] =	stream.linear.gather [hbm4b:s4+s3], $0x4000, $0x38;
	[tilespmem:$0x19400] =	vst v63  }
0x12: {  	_ =	swait.ge [sflag:s11], $0x4000  }
0x13: {  	[sflag:s11] =	ssyncset.done $0x0  }
0x14: {  	[sflag:s11] =	ssyncadd.s32 $0xFFFFC000  }
0x15: {  	[tilespmem:s3], [sflag:$0x1] =	stream.linear.gather [hbm4b:s7+s3], $0x1400, $0x38;
	[tilespmem:$0x19400] =	vst v63  }
0x16: {  	_ =	swait.ge [sflag:s11], $0x1400  }
0x17: {  	[sflag:s11] =	ssyncset.done $0x0  }
0x18: {  	[sflag:s11] =	ssyncadd.s32 $0xFFFFEC00  }
0x19: {  	s15 =	simm.s32 $0x0;
	[bflag:$0x0] =	sbarrier.arrive $0xFFFF  }
0x1a: {  	[spmem:s2] =	stream.indirect.scatter.add.f32 [tilespmem:s12], [sflag:$0x1], $0x80, s15, s13, $0xb8;
	[tilespmem:$0x19400] =	vst v63  }
0x1b: {  	_ =	swait.ge [sflag:s11], $0x4000  }
0x1c: {  	s15 =	simm.s32 $0x200;
	[sflag:s11] =	ssyncset.done $0x0  }
.LBB2_2:
0x1d: {  	s16 =	sshra.s32 s15, $0x2;
	[sflag:s11] =	ssyncadd.s32 $0xFFFFC000;
	p0 =	sne.s32 s15, $0x4E00  }
0x1e: {  	[spmem:s2] =	stream.indirect.scatter.add.f32 [tilespmem:s12], [sflag:$0x1], $0x80, s16, s13, $0xb8;
	[tilespmem:$0x19400] =	vst v63  }
.Ltmp0:
0x1f: {  	_ = 	snop;
	(pc) =	sbr.rel @p0 .LBB2_2-.Ltmp0, $4  }
0x20: {  	_ = 	snop  }
0x21: {  	s15 =	sadd.s32 $0x200, s15  }
0x22: {  	_ =	swait.ge [sflag:s11], $0x4000  }
0x23: {  	[sflag:s11] =	ssyncset.done $0x0  }
0x24: {  	s14 =	sadd.s32 $0x1, s14  }
0x25: {  	[sflag:s11] =	ssyncadd.s32 $0xFFFFC000;
	p0 =	sne.s32 s14, s9  }
.Ltmp1:
0x26: {  	[bflag:$0x0] =	sbarrier.arrive $0xFFFF;
	(pc) =	sbr.rel @p0 .LBB2_1-.Ltmp1, $4  }
0x27: {  	[hbm:s8], [sflag:s6] =	dma.local [spmem:s10], $0x2800  }
0x28: {  	_ =	swait.ge [sflag:s11], $0x2800  }
0x29: {  	[sflag:s11] =	ssyncset.done $0x0  }
0x2a: {  	[sflag:s11] =	ssyncadd.s32 $0xFFFFD800  }
0x2b: {  	_ =	sfence.sel $0x180000  }
0x2c: {  	[bflag:$0x0] =	sbarrier.arrive $0xFFFF  }
0x2d: {  	p0 =	sne.s32 s0, $0x0;
	_ =	strace $0x90000047  }
0x2e: {  	s0 =	sadd.s32 @!p0 $0x100000, s1;
	[bflag:$0x2] =	sbarrier.arrive $0xFFFF  }
0x2f: {  	[sflag:s0] =	ssyncadd.tile.s32 @!p0 $0x1;
	_ =	shalt  }
.Lfunc_end2:
_tile_overlayer_lowered:
.L_overlay_start_2:
0x30: {  	(tag) =	ssettag $0x2  }
0x31: {  	s0 =	rddreg [dreg:$0x0];
	s2 =	stileid.u32  }
0x32: {  	s1 =	rddreg [dreg:$0x1];
	p0 =	sne.s32 s2, $0x0  }
0x33: {  	s3 =	rddreg [dreg:$0x2];
	[bflag:$0x3] =	sbarrier.arrive $0xFFFF;
	s2 =	simm.s32 @!p0 $0x1C01  }
0x34: {  	[timem:s3], [sflag:s2] =	dma.local @!p0 [hbm:s0], s1  }
0x35: {  	s0 =	simm.s32 @!p0 $0x1  }
0x36: {  	_ =	swait.ge @!p0 [sflag:s0], s1  }
0x37: {  	s1 =	ssub.s32 @!p0 $0x0, s1;
	[sflag:s0] =	ssyncset.done @!p0 $0x0  }
0x38: {  	[sflag:s0] =	ssyncadd.s32 @!p0 s1  }
0x39: {  	[bflag:$0x3] =	sbarrier.arrive $0xFFFF  }
0x3a: {  	_ =	shalt  }

</sc_bundles>
